<compile_context>
chip_gen: v7x
topology: tpu7x:2x2x1
jax: 0.10.2.dev20260603
libtpu: 0.0.44.dev20260713+nightly
codegen_flags: <defaults>
</compile_context>

<pallas_src>
import functools

import jax
import jax.numpy as jnp
from jax import lax
from jax.experimental import pallas as pl
from jax.experimental.pallas import tpu as pltpu
from jax.experimental.pallas import tpu_sc as plsc

_BATCH = 16384
_EMBED_DIM = 64


@functools.lru_cache(maxsize=None)
def _make_gather_kernel(batch: int, vocab: int, dim: int):
    info = plsc.get_sparse_core_info()
    nw = info.num_cores * info.num_subcores
    ndgrp = 8
    dgrp = dim // ndgrp
    ncgrp = nw // ndgrp
    cols_per_w = batch // ncgrp
    ngrp = cols_per_w // 128
    mesh = plsc.VectorSubcoreMesh(core_axis_name="c", subcore_axis_name="s")

    @functools.partial(
        pl.kernel,
        mesh=mesh,
        out_type=jax.ShapeDtypeStruct((dim, batch), jnp.float32),
        scratch_types=[
            pltpu.VMEM((cols_per_w,), jnp.int32),
            pltpu.VMEM((dgrp * vocab,), jnp.float32),
            pltpu.VMEM((8, 128), jnp.float32),
            pltpu.VMEM((8, 128), jnp.float32),
            pltpu.SemaphoreType.DMA,
            pltpu.SemaphoreType.DMA,
            pltpu.SemaphoreType.DMA,
            pltpu.SemaphoreType.DMA,
        ],
        compiler_params=pltpu.CompilerParams(
            needs_layout_passes=False,
            disable_bounds_checks=True,
            disable_semaphore_checks=True,
            skip_device_barrier=True,
        ),
    )
    def gather_kernel(
        idx_hbm, table_hbm, out_hbm, idx_v, table_v,
        buf0, buf1, tsem, isem, sem0, sem1,
    ):
        wid = lax.axis_index("s") * info.num_cores + lax.axis_index("c")
        g = wid % ndgrp
        c = wid // ndgrp
        d0 = g * dgrp
        base = c * cols_per_w
        tcopy = pltpu.async_copy(
            table_hbm.at[pl.ds(d0 * vocab, dgrp * vocab)], table_v, tsem
        )
        icopy = pltpu.async_copy(idx_hbm.at[pl.ds(base, cols_per_w)], idx_v, isem)
        icopy.wait()
        tcopy.wait()

        def fill_tile(j, buf):
            for lb in range(8):
                rows16 = idx_v[pl.ds(j * 128 + lb * 16, 16)]
                vals = [
                    plsc.load_gather(table_v, [rows16 + s * vocab])
                    for s in range(8)
                ]
                for s in range(8):
                    buf[s, pl.ds(lb * 16, 16)] = vals[s]

        def pair_body(t2, carry):
            for half, buf, sem in ((0, buf0, sem0), (1, buf1, sem1)):
                j = 2 * t2 + half

                @pl.when(t2 > 0)
                def _():
                    pltpu.make_async_copy(
                        buf, out_hbm.at[pl.ds(0, 8), pl.ds(0, 128)], sem
                    ).wait()

                fill_tile(j, buf)
                pltpu.async_copy(
                    buf,
                    out_hbm.at[pl.ds(d0, 8), pl.ds(base + j * 128, 128)],
                    sem,
                )
            return carry

        lax.fori_loop(0, ngrp // 2, pair_body, 0)
        for buf, sem in ((buf0, sem0), (buf1, sem1)):
            pltpu.make_async_copy(
                buf, out_hbm.at[pl.ds(0, 8), pl.ds(0, 128)], sem
            ).wait()

    return gather_kernel


def kernel(indices, table):
    k = _make_gather_kernel(_BATCH, table.shape[0], _EMBED_DIM)
    out_t = k(indices.astype(jnp.int32), table.T.reshape(-1))
    return out_t.T

# --- scband reference (transcript-rebuilt; emitter-appended) ---
"""Pipeline reference for scband-word-embedding-32143535243942 (READ-ONLY COPY).

The authoritative reference and input builder live on the scoring server;
editing this copy changes nothing except your own understanding.
"""

import jax, jax.numpy as jnp
import numpy as np

# WordEmbedding with normalize_unicode=None, lower_case=False, zero_digits=False,
# max_len=None, embed_type='dense_auto': the text-adapt pipeline is a no-op, so the
# layer reduces to StringLookup (string -> int index, vocab = [UNK] + 1000 words,
# vocabulary_size = 1001) followed by a dense Embedding gather.
# We model the post-StringLookup integer indices directly (JAX has no string dtype).

VOCAB_SIZE = 1001  # 1000 vocab words + [UNK]
EMBED_DIM = 64
BATCH = 16384


def setup_inputs(seed: int = 0) -> dict:
    key = jax.random.key(seed)
    k1, k2 = jax.random.split(key)
    indices = jax.random.randint(k1, (BATCH,), 0, VOCAB_SIZE)
    # keras 'uniform' embeddings_initializer: U(-0.05, 0.05)
    table = jax.random.uniform(k2, (VOCAB_SIZE, EMBED_DIM), minval=-0.05, maxval=0.05, dtype=jnp.float32)
    return {"indices": indices, "table": table}


def reference(indices, table):
    # embedding lookup: outputs[i] = table[indices[i]]
    return jnp.take(table, indices, axis=0)

if __name__ == "__main__":
    import jax
    _d = setup_inputs()
    print(jax.jit(kernel)(*tuple(_d.values())))

</pallas_src>

<mosaic_0001>
#map = affine_map<(d0, d1) -> (0)>
#map1 = affine_map<(d0, d1) -> (0, 0)>
module attributes {stable_mosaic.version = 14 : i64} {
  func.func @gather_kernel(%arg0: i32, %arg1: i32, %arg2: memref<16384xi32, #tpu.memory_space<hbm>>, %arg3: memref<64064xf32, #tpu.memory_space<hbm>>, %arg4: memref<64x16384xf32, #tpu.memory_space<hbm>>, %arg5: memref<4096xi32, #tpu.memory_space<vmem>>, %arg6: memref<8008xf32, #tpu.memory_space<vmem>>, %arg7: memref<8x128xf32, #tpu.memory_space<vmem>>, %arg8: memref<8x128xf32, #tpu.memory_space<vmem>>, %arg9: memref<!tpu.dma_semaphore, #tpu.memory_space<semaphore_mem>>, %arg10: memref<!tpu.dma_semaphore, #tpu.memory_space<semaphore_mem>>, %arg11: memref<!tpu.dma_semaphore, #tpu.memory_space<semaphore_mem>>, %arg12: memref<!tpu.dma_semaphore, #tpu.memory_space<semaphore_mem>>) attributes {dimension_semantics = [#tpu.dimension_semantics<core_parallel>, #tpu.dimension_semantics<subcore_parallel>], iteration_bounds = array<i64: 2, 16>, scalar_prefetch = 0 : i64, scratch_operands = 8 : i64, tpu.core_type = #tpu.core_type<sc_vector_subcore>, window_params = [{transform_indices = #map}, {transform_indices = #map}, {transform_indices = #map1}]} {
    %mul3A = arith.constant 2 : i32
    %mul3A_0 = arith.muli %arg1, %mul3A : i32
    %add3A = arith.addi %mul3A_0, %arg0 : i32
    %jit3A = arith.constant 8 : i32
    %eq3A = arith.constant 0 : i32
    %eq3A_1 = arith.cmpi eq, %jit3A, %eq3A : i32
    %jit3A_2 = arith.constant 1 : i32
    %select_n3A = arith.select %eq3A_1, %jit3A_2, %jit3A : i32
    %rem3A = arith.remsi %add3A, %select_n3A : i32
    %ne3A = arith.constant 0 : i32
    %ne3A_3 = arith.cmpi ne, %rem3A, %ne3A : i32
    %lt3A = arith.constant 0 : i32
    %lt3A_4 = arith.cmpi slt, %rem3A, %lt3A : i32
    %lt3A_5 = arith.constant 0 : i32
    %lt3A_6 = arith.cmpi slt, %select_n3A, %lt3A_5 : i32
    %ne3A_7 = arith.xori %lt3A_4, %lt3A_6 : i1
    %and3A = arith.andi %ne3A_7, %ne3A_3 : i1
    %add3A_8 = arith.addi %rem3A, %select_n3A : i32
    %select_n3A_9 = arith.select %and3A, %add3A_8, %rem3A : i32
    %jit3A_10 = arith.constant 8 : i32
    %div3A = arith.divsi %add3A, %jit3A_10 : i32
    %sign3A = arith.constant 0 : i32
    %sign3A_11 = arith.cmpi sgt, %add3A, %sign3A : i32
    %sign3A_12 = arith.extui %sign3A_11 : i1 to i32
    %sign3A_13 = arith.constant 0 : i32
    %sign3A_14 = arith.cmpi slt, %add3A, %sign3A_13 : i32
    %sign3A_15 = arith.extui %sign3A_14 : i1 to i32
    %sign3A_16 = arith.subi %sign3A_12, %sign3A_15 : i32
    %sign3A_17 = arith.constant 0 : i32
    %sign3A_18 = arith.cmpi sgt, %jit3A_10, %sign3A_17 : i32
    %sign3A_19 = arith.extui %sign3A_18 : i1 to i32
    %sign3A_20 = arith.constant 0 : i32
    %sign3A_21 = arith.cmpi slt, %jit3A_10, %sign3A_20 : i32
    %sign3A_22 = arith.extui %sign3A_21 : i1 to i32
    %sign3A_23 = arith.subi %sign3A_19, %sign3A_22 : i32
    %ne3A_24 = arith.cmpi ne, %sign3A_16, %sign3A_23 : i32
    %rem3A_25 = arith.remsi %add3A, %jit3A_10 : i32
    %ne3A_26 = arith.constant 0 : i32
    %ne3A_27 = arith.cmpi ne, %rem3A_25, %ne3A_26 : i32
    %and3A_28 = arith.andi %ne3A_24, %ne3A_27 : i1
    %sub3A = arith.constant 1 : i32
    %sub3A_29 = arith.subi %div3A, %sub3A : i32
    %select_n3A_30 = arith.select %and3A_28, %sub3A_29, %div3A : i32
    %mul3A_31 = arith.constant 8 : i32
    %mul3A_32 = arith.muli %select_n3A_9, %mul3A_31 : i32
    %mul3A_33 = arith.constant 4096 : i32
    %mul3A_34 = arith.muli %select_n3A_30, %mul3A_33 : i32
    %mul3A_35 = arith.constant 1001 : i32
    %mul3A_36 = arith.muli %mul3A_32, %mul3A_35 : i32
    %dma_start3A = tpu.memref_slice %arg3[%mul3A_36] : memref<64064xf32, #tpu.memory_space<hbm>> -> memref<8008xf32, #tpu.memory_space<hbm>>
    %dma_start3A_37 = tpu.memref_slice %arg3[%mul3A_36] : memref<64064xf32, #tpu.memory_space<hbm>> -> memref<8008xf32, #tpu.memory_space<hbm>>
    tpu.enqueue_dma source(%dma_start3A_37 : memref<8008xf32, #tpu.memory_space<hbm>>) target(%arg6 : memref<8008xf32, #tpu.memory_space<vmem>>) target_semaphore(%arg9 : memref<!tpu.dma_semaphore, #tpu.memory_space<semaphore_mem>>)
    %dma_start3A_38 = tpu.memref_slice %arg2[%mul3A_34] : memref<16384xi32, #tpu.memory_space<hbm>> -> memref<4096xi32, #tpu.memory_space<hbm>>
    %dma_start3A_39 = tpu.memref_slice %arg2[%mul3A_34] : memref<16384xi32, #tpu.memory_space<hbm>> -> memref<4096xi32, #tpu.memory_space<hbm>>
    tpu.enqueue_dma source(%dma_start3A_39 : memref<4096xi32, #tpu.memory_space<hbm>>) target(%arg5 : memref<4096xi32, #tpu.memory_space<vmem>>) target_semaphore(%arg10 : memref<!tpu.dma_semaphore, #tpu.memory_space<semaphore_mem>>)
    %dma_wait3A = tpu.memref_slice %arg2[%mul3A_34] : memref<16384xi32, #tpu.memory_space<hbm>> -> memref<4096xi32, #tpu.memory_space<hbm>>
    %dma_wait3A_40 = tpu.memref_slice %arg2[%mul3A_34] : memref<16384xi32, #tpu.memory_space<hbm>> -> memref<4096xi32, #tpu.memory_space<hbm>>
    tpu.wait_dma2 semaphore(%arg10 : memref<!tpu.dma_semaphore, #tpu.memory_space<semaphore_mem>>) src(%dma_wait3A_40 : memref<4096xi32, #tpu.memory_space<hbm>>) dst(%arg5 : memref<4096xi32, #tpu.memory_space<vmem>>)
    %dma_wait3A_41 = tpu.memref_slice %arg3[%mul3A_36] : memref<64064xf32, #tpu.memory_space<hbm>> -> memref<8008xf32, #tpu.memory_space<hbm>>
    %dma_wait3A_42 = tpu.memref_slice %arg3[%mul3A_36] : memref<64064xf32, #tpu.memory_space<hbm>> -> memref<8008xf32, #tpu.memory_space<hbm>>
    tpu.wait_dma2 semaphore(%arg9 : memref<!tpu.dma_semaphore, #tpu.memory_space<semaphore_mem>>) src(%dma_wait3A_42 : memref<8008xf32, #tpu.memory_space<hbm>>) dst(%arg6 : memref<8008xf32, #tpu.memory_space<vmem>>)
    %scan3A = arith.constant 0 : i32
    %scan3A_43 = arith.constant 0 : i32
    %scan3A_44 = arith.constant 16 : i32
    %scan3A_45 = arith.addi %scan3A_43, %scan3A_44 : i32
    %scan3A_46 = arith.constant 1 : i32
    scf.for %scan3A_60 = %scan3A_43 to %scan3A_45 step %scan3A_46  : i32 {
      %mul3A_61 = arith.constant 2 : i32
      %mul3A_62 = arith.muli %mul3A_61, %scan3A_60 : i32
      %add3A_63 = arith.constant 0 : i32
      %add3A_64 = arith.addi %mul3A_62, %add3A_63 : i32
      %gt3A = arith.constant 0 : i32
      %gt3A_65 = arith.cmpi sgt, %scan3A_60, %gt3A : i32
      %convert_element_type3A = arith.extui %gt3A_65 : i1 to i32
      %cond3A = arith.constant 0 : i32
      %cond3A_66 = arith.cmpi ne, %convert_element_type3A, %cond3A : i32
      scf.if %cond3A_66 {
        %dma_wait3A_1203 = arith.constant 0 : i32
        %dma_wait3A_1204 = arith.constant 0 : i32
        %dma_wait3A_1205 = tpu.memref_slice %arg4[%dma_wait3A_1203, %dma_wait3A_1204] : memref<64x16384xf32, #tpu.memory_space<hbm>> -> memref<8x128xf32, #tpu.memory_space<hbm>>
        %dma_wait3A_1206 = arith.constant 0 : i32
        %dma_wait3A_1207 = arith.constant 0 : i32
        %dma_wait3A_1208 = tpu.memref_slice %arg4[%dma_wait3A_1206, %dma_wait3A_1207] : memref<64x16384xf32, #tpu.memory_space<hbm>> -> memref<8x128xf32, #tpu.memory_space<hbm>>
        tpu.wait_dma2 semaphore(%arg11 : memref<!tpu.dma_semaphore, #tpu.memory_space<semaphore_mem>>) src(%arg7 : memref<8x128xf32, #tpu.memory_space<vmem>>) dst(%dma_wait3A_1208 : memref<8x128xf32, #tpu.memory_space<hbm>>)
      } else {
      }
      %mul3A_67 = arith.constant 128 : i32
      %mul3A_68 = arith.muli %add3A_64, %mul3A_67 : i32
      %add3A_69 = arith.constant 0 : i32
      %add3A_70 = arith.addi %mul3A_68, %add3A_69 : i32
      %get3A = arith.index_cast %add3A_70 : i32 to index
      %get3A_71 = tpu.vector_load %arg5[%get3A] {strides = array<i32>} : memref<4096xi32, #tpu.memory_space<vmem>>, vector<16xi32>,
      %add3A_72 = arith.constant 0 : i32
      %add3A_73 = vector.broadcast %add3A_72 : i32 to vector<16xi32>
      %add3A_74 = arith.addi %get3A_71, %add3A_73 : vector<16xi32>
      %gather3A = tpu.vector_load_idx %arg6[%add3A_74] : memref<8008xf32, #tpu.memory_space<vmem>>[vector<16xi32>], vector<16xf32>,
      %add3A_75 = arith.constant 1001 : i32
      %add3A_76 = vector.broadcast %add3A_75 : i32 to vector<16xi32>
      %add3A_77 = arith.addi %get3A_71, %add3A_76 : vector<16xi32>
      %gather3A_78 = tpu.vector_load_idx %arg6[%add3A_77] : memref<8008xf32, #tpu.memory_space<vmem>>[vector<16xi32>], vector<16xf32>,
      %add3A_79 = arith.constant 2002 : i32
      %add3A_80 = vector.broadcast %add3A_79 : i32 to vector<16xi32>
      %add3A_81 = arith.addi %get3A_71, %add3A_80 : vector<16xi32>
      %gather3A_82 = tpu.vector_load_idx %arg6[%add3A_81] : memref<8008xf32, #tpu.memory_space<vmem>>[vector<16xi32>], vector<16xf32>,
      %add3A_83 = arith.constant 3003 : i32
      %add3A_84 = vector.broadcast %add3A_83 : i32 to vector<16xi32>
      %add3A_85 = arith.addi %get3A_71, %add3A_84 : vector<16xi32>
      %gather3A_86 = tpu.vector_load_idx %arg6[%add3A_85] : memref<8008xf32, #tpu.memory_space<vmem>>[vector<16xi32>], vector<16xf32>,
      %add3A_87 = arith.constant 4004 : i32
      %add3A_88 = vector.broadcast %add3A_87 : i32 to vector<16xi32>
      %add3A_89 = arith.addi %get3A_71, %add3A_88 : vector<16xi32>
      %gather3A_90 = tpu.vector_load_idx %arg6[%add3A_89] : memref<8008xf32, #tpu.memory_space<vmem>>[vector<16xi32>], vector<16xf32>,
      %add3A_91 = arith.constant 5005 : i32
      %add3A_92 = vector.broadcast %add3A_91 : i32 to vector<16xi32>
      %add3A_93 = arith.addi %get3A_71, %add3A_92 : vector<16xi32>
      %gather3A_94 = tpu.vector_load_idx %arg6[%add3A_93] : memref<8008xf32, #tpu.memory_space<vmem>>[vector<16xi32>], vector<16xf32>,
      %add3A_95 = arith.constant 6006 : i32
      %add3A_96 = vector.broadcast %add3A_95 : i32 to vector<16xi32>
      %add3A_97 = arith.addi %get3A_71, %add3A_96 : vector<16xi32>
      %gather3A_98 = tpu.vector_load_idx %arg6[%add3A_97] : memref<8008xf32, #tpu.memory_space<vmem>>[vector<16xi32>], vector<16xf32>,
      %add3A_99 = arith.constant 7007 : i32
      %add3A_100 = vector.broadcast %add3A_99 : i32 to vector<16xi32>
      %add3A_101 = arith.addi %get3A_71, %add3A_100 : vector<16xi32>
      %gather3A_102 = tpu.vector_load_idx %arg6[%add3A_101] : memref<8008xf32, #tpu.memory_space<vmem>>[vector<16xi32>], vector<16xf32>,
      %swap3A = arith.constant 0 : i32
      %swap3A_103 = arith.index_cast %swap3A : i32 to index
      %swap3A_104 = arith.constant 0 : index
      %swap3A_105 = tpu.vector_load %arg7[%swap3A_103, %swap3A_104] {strides = array<i32>} : memref<8x128xf32, #tpu.memory_space<vmem>>, vector<16xf32>,
      tpu.vector_store %arg7[%swap3A_103, %swap3A_104], %gather3A {strides = array<i32>} : memref<8x128xf32, #tpu.memory_space<vmem>>, vector<16xf32>,
      %swap3A_106 = arith.constant 1 : i32
      %swap3A_107 = arith.index_cast %swap3A_106 : i32 to index
      %swap3A_108 = arith.constant 0 : index
      %swap3A_109 = tpu.vector_load %arg7[%swap3A_107, %swap3A_108] {strides = array<i32>} : memref<8x128xf32, #tpu.memory_space<vmem>>, vector<16xf32>,
      tpu.vector_store %arg7[%swap3A_107, %swap3A_108], %gather3A_78 {strides = array<i32>} : memref<8x128xf32, #tpu.memory_space<vmem>>, vector<16xf32>,
      %swap3A_110 = arith.constant 2 : i32
      %swap3A_111 = arith.index_cast %swap3A_110 : i32 to index
      %swap3A_112 = arith.constant 0 : index
      %swap3A_113 = tpu.vector_load %arg7[%swap3A_111, %swap3A_112] {strides = array<i32>} : memref<8x128xf32, #tpu.memory_space<vmem>>, vector<16xf32>,
      tpu.vector_store %arg7[%swap3A_111, %swap3A_112], %gather3A_82 {strides = array<i32>} : memref<8x128xf32, #tpu.memory_space<vmem>>, vector<16xf32>,
      %swap3A_114 = arith.constant 3 : i32
      %swap3A_115 = arith.index_cast %swap3A_114 : i32 to index
      %swap3A_116 = arith.constant 0 : index
      %swap3A_117 = tpu.vector_load %arg7[%swap3A_115, %swap3A_116] {strides = array<i32>} : memref<8x128xf32, #tpu.memory_space<vmem>>, vector<16xf32>,
      tpu.vector_store %arg7[%swap3A_115, %swap3A_116], %gather3A_86 {strides = array<i32>} : memref<8x128xf32, #tpu.memory_space<vmem>>, vector<16xf32>,
      %swap3A_118 = arith.constant 4 : i32
      %swap3A_119 = arith.index_cast %swap3A_118 : i32 to index
      %swap3A_120 = arith.constant 0 : index
      %swap3A_121 = tpu.vector_load %arg7[%swap3A_119, %swap3A_120] {strides = array<i32>} : memref<8x128xf32, #tpu.memory_space<vmem>>, vector<16xf32>,
      tpu.vector_store %arg7[%swap3A_119, %swap3A_120], %gather3A_90 {strides = array<i32>} : memref<8x128xf32, #tpu.memory_space<vmem>>, vector<16xf32>,
      %swap3A_122 = arith.constant 5 : i32
      %swap3A_123 = arith.index_cast %swap3A_122 : i32 to index
      %swap3A_124 = arith.constant 0 : index
      %swap3A_125 = tpu.vector_load %arg7[%swap3A_123, %swap3A_124] {strides = array<i32>} : memref<8x128xf32, #tpu.memory_space<vmem>>, vector<16xf32>,
      tpu.vector_store %arg7[%swap3A_123, %swap3A_124], %gather3A_94 {strides = array<i32>} : memref<8x128xf32, #tpu.memory_space<vmem>>, vector<16xf32>,
      %swap3A_126 = arith.constant 6 : i32
      %swap3A_127 = arith.index_cast %swap3A_126 : i32 to index
      %swap3A_128 = arith.constant 0 : index
      %swap3A_129 = tpu.vector_load %arg7[%swap3A_127, %swap3A_128] {strides = array<i32>} : memref<8x128xf32, #tpu.memory_space<vmem>>, vector<16xf32>,
      tpu.vector_store %arg7[%swap3A_127, %swap3A_128], %gather3A_98 {strides = array<i32>} : memref<8x128xf32, #tpu.memory_space<vmem>>, vector<16xf32>,
      %swap3A_130 = arith.constant 7 : i32
      %swap3A_131 = arith.index_cast %swap3A_130 : i32 to index
      %swap3A_132 = arith.constant 0 : index
      %swap3A_133 = tpu.vector_load %arg7[%swap3A_131, %swap3A_132] {strides = array<i32>} : memref<8x128xf32, #tpu.memory_space<vmem>>, vector<16xf32>,
      tpu.vector_store %arg7[%swap3A_131, %swap3A_132], %gather3A_102 {strides = array<i32>} : memref<8x128xf32, #tpu.memory_space<vmem>>, vector<16xf32>,
      %mul3A_134 = arith.constant 128 : i32
      %mul3A_135 = arith.muli %add3A_64, %mul3A_134 : i32
      %add3A_136 = arith.constant 16 : i32
      %add3A_137 = arith.addi %mul3A_135, %add3A_136 : i32
      %get3A_138 = arith.index_cast %add3A_137 : i32 to index
      %get3A_139 = tpu.vector_load %arg5[%get3A_138] {strides = array<i32>} : memref<4096xi32, #tpu.memory_space<vmem>>, vector<16xi32>,
      %add3A_140 = arith.constant 0 : i32
      %add3A_141 = vector.broadcast %add3A_140 : i32 to vector<16xi32>
      %add3A_142 = arith.addi %get3A_139, %add3A_141 : vector<16xi32>
      %gather3A_143 = tpu.vector_load_idx %arg6[%add3A_142] : memref<8008xf32, #tpu.memory_space<vmem>>[vector<16xi32>], vector<16xf32>,
      %add3A_144 = arith.constant 1001 : i32
      %add3A_145 = vector.broadcast %add3A_144 : i32 to vector<16xi32>
      %add3A_146 = arith.addi %get3A_139, %add3A_145 : vector<16xi32>
      %gather3A_147 = tpu.vector_load_idx %arg6[%add3A_146] : memref<8008xf32, #tpu.memory_space<vmem>>[vector<16xi32>], vector<16xf32>,
      %add3A_148 = arith.constant 2002 : i32
      %add3A_149 = vector.broadcast %add3A_148 : i32 to vector<16xi32>
      %add3A_150 = arith.addi %get3A_139, %add3A_149 : vector<16xi32>
      %gather3A_151 = tpu.vector_load_idx %arg6[%add3A_150] : memref<8008xf32, #tpu.memory_space<vmem>>[vector<16xi32>], vector<16xf32>,
      %add3A_152 = arith.constant 3003 : i32
      %add3A_153 = vector.broadcast %add3A_152 : i32 to vector<16xi32>
      %add3A_154 = arith.addi %get3A_139, %add3A_153 : vector<16xi32>
      %gather3A_155 = tpu.vector_load_idx %arg6[%add3A_154] : memref<8008xf32, #tpu.memory_space<vmem>>[vector<16xi32>], vector<16xf32>,
      %add3A_156 = arith.constant 4004 : i32
      %add3A_157 = vector.broadcast %add3A_156 : i32 to vector<16xi32>
      %add3A_158 = arith.addi %get3A_139, %add3A_157 : vector<16xi32>
      %gather3A_159 = tpu.vector_load_idx %arg6[%add3A_158] : memref<8008xf32, #tpu.memory_space<vmem>>[vector<16xi32>], vector<16xf32>,
      %add3A_160 = arith.constant 5005 : i32
      %add3A_161 = vector.broadcast %add3A_160 : i32 to vector<16xi32>
      %add3A_162 = arith.addi %get3A_139, %add3A_161 : vector<16xi32>
      %gather3A_163 = tpu.vector_load_idx %arg6[%add3A_162] : memref<8008xf32, #tpu.memory_space<vmem>>[vector<16xi32>], vector<16xf32>,
      %add3A_164 = arith.constant 6006 : i32
      %add3A_165 = vector.broadcast %add3A_164 : i32 to vector<16xi32>
      %add3A_166 = arith.addi %get3A_139, %add3A_165 : vector<16xi32>
      %gather3A_167 = tpu.vector_load_idx %arg6[%add3A_166] : memref<8008xf32, #tpu.memory_space<vmem>>[vector<16xi32>], vector<16xf32>,
      %add3A_168 = arith.constant 7007 : i32
      %add3A_169 = vector.broadcast %add3A_168 : i32 to vector<16xi32>
      %add3A_170 = arith.addi %get3A_139, %add3A_169 : vector<16xi32>
      %gather3A_171 = tpu.vector_load_idx %arg6[%add3A_170] : memref<8008xf32, #tpu.memory_space<vmem>>[vector<16xi32>], vector<16xf32>,
      %swap3A_172 = arith.constant 0 : i32
      %swap3A_173 = arith.index_cast %swap3A_172 : i32 to index
      %swap3A_174 = arith.constant 16 : index
      %swap3A_175 = tpu.vector_load %arg7[%swap3A_173, %swap3A_174] {strides = array<i32>} : memref<8x128xf32, #tpu.memory_space<vmem>>, vector<16xf32>,
      tpu.vector_store %arg7[%swap3A_173, %swap3A_174], %gather3A_143 {strides = array<i32>} : memref<8x128xf32, #tpu.memory_space<vmem>>, vector<16xf32>,
      %swap3A_176 = arith.constant 1 : i32
      %swap3A_177 = arith.index_cast %swap3A_176 : i32 to index
      %swap3A_178 = arith.constant 16 : index
      %swap3A_179 = tpu.vector_load %arg7[%swap3A_177, %swap3A_178] {strides = array<i32>} : memref<8x128xf32, #tpu.memory_space<vmem>>, vector<16xf32>,
      tpu.vector_store %arg7[%swap3A_177, %swap3A_178], %gather3A_147 {strides = array<i32>} : memref<8x128xf32, #tpu.memory_space<vmem>>, vector<16xf32>,
      %swap3A_180 = arith.constant 2 : i32
      %swap3A_181 = arith.index_cast %swap3A_180 : i32 to index
      %swap3A_182 = arith.constant 16 : index
      %swap3A_183 = tpu.vector_load %arg7[%swap3A_181, %swap3A_182] {strides = array<i32>} : memref<8x128xf32, #tpu.memory_space<vmem>>, vector<16xf32>,
      tpu.vector_store %arg7[%swap3A_181, %swap3A_182], %gather3A_151 {strides = array<i32>} : memref<8x128xf32, #tpu.memory_space<vmem>>, vector<16xf32>,
      %swap3A_184 = arith.constant 3 : i32
      %swap3A_185 = arith.index_cast %swap3A_184 : i32 to index
      %swap3A_186 = arith.constant 16 : index
      %swap3A_187 = tpu.vector_load %arg7[%swap3A_185, %swap3A_186] {strides = array<i32>} : memref<8x128xf32, #tpu.memory_space<vmem>>, vector<16xf32>,
      tpu.vector_store %arg7[%swap3A_185, %swap3A_186], %gather3A_155 {strides = array<i32>} : memref<8x128xf32, #tpu.memory_space<vmem>>, vector<16xf32>,
      %swap3A_188 = arith.constant 4 : i32
      %swap3A_189 = arith.index_cast %swap3A_188 : i32 to index
      %swap3A_190 = arith.constant 16 : index
      %swap3A_191 = tpu.vector_load %arg7[%swap3A_189, %swap3A_190] {strides = array<i32>} : memref<8x128xf32, #tpu.memory_space<vmem>>, vector<16xf32>,
      tpu.vector_store %arg7[%swap3A_189, %swap3A_190], %gather3A_159 {strides = array<i32>} : memref<8x128xf32, #tpu.memory_space<vmem>>, vector<16xf32>,
      %swap3A_192 = arith.constant 5 : i32
      %swap3A_193 = arith.index_cast %swap3A_192 : i32 to index
      %swap3A_194 = arith.constant 16 : index
      %swap3A_195 = tpu.vector_load %arg7[%swap3A_193, %swap3A_194] {strides = array<i32>} : memref<8x128xf32, #tpu.memory_space<vmem>>, vector<16xf32>,
      tpu.vector_store %arg7[%swap3A_193, %swap3A_194], %gather3A_163 {strides = array<i32>} : memref<8x128xf32, #tpu.memory_space<vmem>>, vector<16xf32>,
      %swap3A_196 = arith.constant 6 : i32
      %swap3A_197 = arith.index_cast %swap3A_196 : i32 to index
      %swap3A_198 = arith.constant 16 : index
      %swap3A_199 = tpu.vector_load %arg7[%swap3A_197, %swap3A_198] {strides = array<i32>} : memref<8x128xf32, #tpu.memory_space<vmem>>, vector<16xf32>,
      tpu.vector_store %arg7[%swap3A_197, %swap3A_198], %gather3A_167 {strides = array<i32>} : memref<8x128xf32, #tpu.memory_space<vmem>>, vector<16xf32>,
      %swap3A_200 = arith.constant 7 : i32
      %swap3A_201 = arith.index_cast %swap3A_200 : i32 to index
      %swap3A_202 = arith.constant 16 : index
      %swap3A_203 = tpu.vector_load %arg7[%swap3A_201, %swap3A_202] {strides = array<i32>} : memref<8x128xf32, #tpu.memory_space<vmem>>, vector<16xf32>,
      tpu.vector_store %arg7[%swap3A_201, %swap3A_202], %gather3A_171 {strides = array<i32>} : memref<8x128xf32, #tpu.memory_space<vmem>>, vector<16xf32>,
      %mul3A_204 = arith.constant 128 : i32
      %mul3A_205 = arith.muli %add3A_64, %mul3A_204 : i32
      %add3A_206 = arith.constant 32 : i32
      %add3A_207 = arith.addi %mul3A_205, %add3A_206 : i32
      %get3A_208 = arith.index_cast %add3A_207 : i32 to index
      %get3A_209 = tpu.vector_load %arg5[%get3A_208] {strides = array<i32>} : memref<4096xi32, #tpu.memory_space<vmem>>, vector<16xi32>,
      %add3A_210 = arith.constant 0 : i32
      %add3A_211 = vector.broadcast %add3A_210 : i32 to vector<16xi32>
      %add3A_212 = arith.addi %get3A_209, %add3A_211 : vector<16xi32>
      %gather3A_213 = tpu.vector_load_idx %arg6[%add3A_212] : memref<8008xf32, #tpu.memory_space<vmem>>[vector<16xi32>], vector<16xf32>,
      %add3A_214 = arith.constant 1001 : i32
      %add3A_215 = vector.broadcast %add3A_214 : i32 to vector<16xi32>
      %add3A_216 = arith.addi %get3A_209, %add3A_215 : vector<16xi32>
      %gather3A_217 = tpu.vector_load_idx %arg6[%add3A_216] : memref<8008xf32, #tpu.memory_space<vmem>>[vector<16xi32>], vector<16xf32>,
      %add3A_218 = arith.constant 2002 : i32
      %add3A_219 = vector.broadcast %add3A_218 : i32 to vector<16xi32>
      %add3A_220 = arith.addi %get3A_209, %add3A_219 : vector<16xi32>
      %gather3A_221 = tpu.vector_load_idx %arg6[%add3A_220] : memref<8008xf32, #tpu.memory_space<vmem>>[vector<16xi32>], vector<16xf32>,
      %add3A_222 = arith.constant 3003 : i32
      %add3A_223 = vector.broadcast %add3A_222 : i32 to vector<16xi32>
      %add3A_224 = arith.addi %get3A_209, %add3A_223 : vector<16xi32>
      %gather3A_225 = tpu.vector_load_idx %arg6[%add3A_224] : memref<8008xf32, #tpu.memory_space<vmem>>[vector<16xi32>], vector<16xf32>,
      %add3A_226 = arith.constant 4004 : i32
      %add3A_227 = vector.broadcast %add3A_226 : i32 to vector<16xi32>
      %add3A_228 = arith.addi %get3A_209, %add3A_227 : vector<16xi32>
      %gather3A_229 = tpu.vector_load_idx %arg6[%add3A_228] : memref<8008xf32, #tpu.memory_space<vmem>>[vector<16xi32>], vector<16xf32>,
      %add3A_230 = arith.constant 5005 : i32
      %add3A_231 = vector.broadcast %add3A_230 : i32 to vector<16xi32>
      %add3A_232 = arith.addi %get3A_209, %add3A_231 : vector<16xi32>
      %gather3A_233 = tpu.vector_load_idx %arg6[%add3A_232] : memref<8008xf32, #tpu.memory_space<vmem>>[vector<16xi32>], vector<16xf32>,
      %add3A_234 = arith.constant 6006 : i32
      %add3A_235 = vector.broadcast %add3A_234 : i32 to vector<16xi32>
      %add3A_236 = arith.addi %get3A_209, %add3A_235 : vector<16xi32>
      %gather3A_237 = tpu.vector_load_idx %arg6[%add3A_236] : memref<8008xf32, #tpu.memory_space<vmem>>[vector<16xi32>], vector<16xf32>,
      %add3A_238 = arith.constant 7007 : i32
      %add3A_239 = vector.broadcast %add3A_238 : i32 to vector<16xi32>
      %add3A_240 = arith.addi %get3A_209, %add3A_239 : vector<16xi32>
      %gather3A_241 = tpu.vector_load_idx %arg6[%add3A_240] : memref<8008xf32, #tpu.memory_space<vmem>>[vector<16xi32>], vector<16xf32>,
      %swap3A_242 = arith.constant 0 : i32
      %swap3A_243 = arith.index_cast %swap3A_242 : i32 to index
      %swap3A_244 = arith.constant 32 : index
      %swap3A_245 = tpu.vector_load %arg7[%swap3A_243, %swap3A_244] {strides = array<i32>} : memref<8x128xf32, #tpu.memory_space<vmem>>, vector<16xf32>,
      tpu.vector_store %arg7[%swap3A_243, %swap3A_244], %gather3A_213 {strides = array<i32>} : memref<8x128xf32, #tpu.memory_space<vmem>>, vector<16xf32>,
      %swap3A_246 = arith.constant 1 : i32
      %swap3A_247 = arith.index_cast %swap3A_246 : i32 to index
      %swap3A_248 = arith.constant 32 : index
      %swap3A_249 = tpu.vector_load %arg7[%swap3A_247, %swap3A_248] {strides = array<i32>} : memref<8x128xf32, #tpu.memory_space<vmem>>, vector<16xf32>,
      tpu.vector_store %arg7[%swap3A_247, %swap3A_248], %gather3A_217 {strides = array<i32>} : memref<8x128xf32, #tpu.memory_space<vmem>>, vector<16xf32>,
      %swap3A_250 = arith.constant 2 : i32
      %swap3A_251 = arith.index_cast %swap3A_250 : i32 to index
      %swap3A_252 = arith.constant 32 : index
      %swap3A_253 = tpu.vector_load %arg7[%swap3A_251, %swap3A_252] {strides = array<i32>} : memref<8x128xf32, #tpu.memory_space<vmem>>, vector<16xf32>,
      tpu.vector_store %arg7[%swap3A_251, %swap3A_252], %gather3A_221 {strides = array<i32>} : memref<8x128xf32, #tpu.memory_space<vmem>>, vector<16xf32>,
      %swap3A_254 = arith.constant 3 : i32
      %swap3A_255 = arith.index_cast %swap3A_254 : i32 to index
      %swap3A_256 = arith.constant 32 : index
      %swap3A_257 = tpu.vector_load %arg7[%swap3A_255, %swap3A_256] {strides = array<i32>} : memref<8x128xf32, #tpu.memory_space<vmem>>, vector<16xf32>,
      tpu.vector_store %arg7[%swap3A_255, %swap3A_256], %gather3A_225 {strides = array<i32>} : memref<8x128xf32, #tpu.memory_space<vmem>>, vector<16xf32>,
      %swap3A_258 = arith.constant 4 : i32
      %swap3A_259 = arith.index_cast %swap3A_258 : i32 to index
      %swap3A_260 = arith.constant 32 : index
      %swap3A_261 = tpu.vector_load %arg7[%swap3A_259, %swap3A_260] {strides = array<i32>} : memref<8x128xf32, #tpu.memory_space<vmem>>, vector<16xf32>,
      tpu.vector_store %arg7[%swap3A_259, %swap3A_260], %gather3A_229 {strides = array<i32>} : memref<8x128xf32, #tpu.memory_space<vmem>>, vector<16xf32>,
      %swap3A_262 = arith.constant 5 : i32
      %swap3A_263 = arith.index_cast %swap3A_262 : i32 to index
      %swap3A_264 = arith.constant 32 : index
      %swap3A_265 = tpu.vector_load %arg7[%swap3A_263, %swap3A_264] {strides = array<i32>} : memref<8x128xf32, #tpu.memory_space<vmem>>, vector<16xf32>,
      tpu.vector_store %arg7[%swap3A_263, %swap3A_264], %gather3A_233 {strides = array<i32>} : memref<8x128xf32, #tpu.memory_space<vmem>>, vector<16xf32>,
      %swap3A_266 = arith.constant 6 : i32
      %swap3A_267 = arith.index_cast %swap3A_266 : i32 to index
      %swap3A_268 = arith.constant 32 : index
      %swap3A_269 = tpu.vector_load %arg7[%swap3A_267, %swap3A_268] {strides = array<i32>} : memref<8x128xf32, #tpu.memory_space<vmem>>, vector<16xf32>,
      tpu.vector_store %arg7[%swap3A_267, %swap3A_268], %gather3A_237 {strides = array<i32>} : memref<8x128xf32, #tpu.memory_space<vmem>>, vector<16xf32>,
      %swap3A_270 = arith.constant 7 : i32
      %swap3A_271 = arith.index_cast %swap3A_270 : i32 to index
      %swap3A_272 = arith.constant 32 : index
      %swap3A_273 = tpu.vector_load %arg7[%swap3A_271, %swap3A_272] {strides = array<i32>} : memref<8x128xf32, #tpu.memory_space<vmem>>, vector<16xf32>,
      tpu.vector_store %arg7[%swap3A_271, %swap3A_272], %gather3A_241 {strides = array<i32>} : memref<8x128xf32, #tpu.memory_space<vmem>>, vector<16xf32>,
      %mul3A_274 = arith.constant 128 : i32
      %mul3A_275 = arith.muli %add3A_64, %mul3A_274 : i32
      %add3A_276 = arith.constant 48 : i32
      %add3A_277 = arith.addi %mul3A_275, %add3A_276 : i32
      %get3A_278 = arith.index_cast %add3A_277 : i32 to index
      %get3A_279 = tpu.vector_load %arg5[%get3A_278] {strides = array<i32>} : memref<4096xi32, #tpu.memory_space<vmem>>, vector<16xi32>,
      %add3A_280 = arith.constant 0 : i32
      %add3A_281 = vector.broadcast %add3A_280 : i32 to vector<16xi32>
      %add3A_282 = arith.addi %get3A_279, %add3A_281 : vector<16xi32>
      %gather3A_283 = tpu.vector_load_idx %arg6[%add3A_282] : memref<8008xf32, #tpu.memory_space<vmem>>[vector<16xi32>], vector<16xf32>,
      %add3A_284 = arith.constant 1001 : i32
      %add3A_285 = vector.broadcast %add3A_284 : i32 to vector<16xi32>
      %add3A_286 = arith.addi %get3A_279, %add3A_285 : vector<16xi32>
      %gather3A_287 = tpu.vector_load_idx %arg6[%add3A_286] : memref<8008xf32, #tpu.memory_space<vmem>>[vector<16xi32>], vector<16xf32>,
      %add3A_288 = arith.constant 2002 : i32
      %add3A_289 = vector.broadcast %add3A_288 : i32 to vector<16xi32>
      %add3A_290 = arith.addi %get3A_279, %add3A_289 : vector<16xi32>
      %gather3A_291 = tpu.vector_load_idx %arg6[%add3A_290] : memref<8008xf32, #tpu.memory_space<vmem>>[vector<16xi32>], vector<16xf32>,
      %add3A_292 = arith.constant 3003 : i32
      %add3A_293 = vector.broadcast %add3A_292 : i32 to vector<16xi32>
      %add3A_294 = arith.addi %get3A_279, %add3A_293 : vector<16xi32>
      %gather3A_295 = tpu.vector_load_idx %arg6[%add3A_294] : memref<8008xf32, #tpu.memory_space<vmem>>[vector<16xi32>], vector<16xf32>,
      %add3A_296 = arith.constant 4004 : i32
      %add3A_297 = vector.broadcast %add3A_296 : i32 to vector<16xi32>
      %add3A_298 = arith.addi %get3A_279, %add3A_297 : vector<16xi32>
      %gather3A_299 = tpu.vector_load_idx %arg6[%add3A_298] : memref<8008xf32, #tpu.memory_space<vmem>>[vector<16xi32>], vector<16xf32>,
      %add3A_300 = arith.constant 5005 : i32
      %add3A_301 = vector.broadcast %add3A_300 : i32 to vector<16xi32>
      %add3A_302 = arith.addi %get3A_279, %add3A_301 : vector<16xi32>
      %gather3A_303 = tpu.vector_load_idx %arg6[%add3A_302] : memref<8008xf32, #tpu.memory_space<vmem>>[vector<16xi32>], vector<16xf32>,
      %add3A_304 = arith.constant 6006 : i32
      %add3A_305 = vector.broadcast %add3A_304 : i32 to vector<16xi32>
      %add3A_306 = arith.addi %get3A_279, %add3A_305 : vector<16xi32>
      %gather3A_307 = tpu.vector_load_idx %arg6[%add3A_306] : memref<8008xf32, #tpu.memory_space<vmem>>[vector<16xi32>], vector<16xf32>,
      %add3A_308 = arith.constant 7007 : i32
      %add3A_309 = vector.broadcast %add3A_308 : i32 to vector<16xi32>
      %add3A_310 = arith.addi %get3A_279, %add3A_309 : vector<16xi32>
      %gather3A_311 = tpu.vector_load_idx %arg6[%add3A_310] : memref<8008xf32, #tpu.memory_space<vmem>>[vector<16xi32>], vector<16xf32>,
      %swap3A_312 = arith.constant 0 : i32
      %swap3A_313 = arith.index_cast %swap3A_312 : i32 to index
      %swap3A_314 = arith.constant 48 : index
      %swap3A_315 = tpu.vector_load %arg7[%swap3A_313, %swap3A_314] {strides = array<i32>} : memref<8x128xf32, #tpu.memory_space<vmem>>, vector<16xf32>,
      tpu.vector_store %arg7[%swap3A_313, %swap3A_314], %gather3A_283 {strides = array<i32>} : memref<8x128xf32, #tpu.memory_space<vmem>>, vector<16xf32>,
      %swap3A_316 = arith.constant 1 : i32
      %swap3A_317 = arith.index_cast %swap3A_316 : i32 to index
      %swap3A_318 = arith.constant 48 : index
      %swap3A_319 = tpu.vector_load %arg7[%swap3A_317, %swap3A_318] {strides = array<i32>} : memref<8x128xf32, #tpu.memory_space<vmem>>, vector<16xf32>,
      tpu.vector_store %arg7[%swap3A_317, %swap3A_318], %gather3A_287 {strides = array<i32>} : memref<8x128xf32, #tpu.memory_space<vmem>>, vector<16xf32>,
      %swap3A_320 = arith.constant 2 : i32
      %swap3A_321 = arith.index_cast %swap3A_320 : i32 to index
      %swap3A_322 = arith.constant 48 : index
      %swap3A_323 = tpu.vector_load %arg7[%swap3A_321, %swap3A_322] {strides = array<i32>} : memref<8x128xf32, #tpu.memory_space<vmem>>, vector<16xf32>,
      tpu.vector_store %arg7[%swap3A_321, %swap3A_322], %gather3A_291 {strides = array<i32>} : memref<8x128xf32, #tpu.memory_space<vmem>>, vector<16xf32>,
      %swap3A_324 = arith.constant 3 : i32
      %swap3A_325 = arith.index_cast %swap3A_324 : i32 to index
      %swap3A_326 = arith.constant 48 : index
      %swap3A_327 = tpu.vector_load %arg7[%swap3A_325, %swap3A_326] {strides = array<i32>} : memref<8x128xf32, #tpu.memory_space<vmem>>, vector<16xf32>,
      tpu.vector_store %arg7[%swap3A_325, %swap3A_326], %gather3A_295 {strides = array<i32>} : memref<8x128xf32, #tpu.memory_space<vmem>>, vector<16xf32>,
      %swap3A_328 = arith.constant 4 : i32
      %swap3A_329 = arith.index_cast %swap3A_328 : i32 to index
      %swap3A_330 = arith.constant 48 : index
      %swap3A_331 = tpu.vector_load %arg7[%swap3A_329, %swap3A_330] {strides = array<i32>} : memref<8x128xf32, #tpu.memory_space<vmem>>, vector<16xf32>,
      tpu.vector_store %arg7[%swap3A_329, %swap3A_330], %gather3A_299 {strides = array<i32>} : memref<8x128xf32, #tpu.memory_space<vmem>>, vector<16xf32>,
      %swap3A_332 = arith.constant 5 : i32
      %swap3A_333 = arith.index_cast %swap3A_332 : i32 to index
      %swap3A_334 = arith.constant 48 : index
      %swap3A_335 = tpu.vector_load %arg7[%swap3A_333, %swap3A_334] {strides = array<i32>} : memref<8x128xf32, #tpu.memory_space<vmem>>, vector<16xf32>,
      tpu.vector_store %arg7[%swap3A_333, %swap3A_334], %gather3A_303 {strides = array<i32>} : memref<8x128xf32, #tpu.memory_space<vmem>>, vector<16xf32>,
      %swap3A_336 = arith.constant 6 : i32
      %swap3A_337 = arith.index_cast %swap3A_336 : i32 to index
      %swap3A_338 = arith.constant 48 : index
      %swap3A_339 = tpu.vector_load %arg7[%swap3A_337, %swap3A_338] {strides = array<i32>} : memref<8x128xf32, #tpu.memory_space<vmem>>, vector<16xf32>,
      tpu.vector_store %arg7[%swap3A_337, %swap3A_338], %gather3A_307 {strides = array<i32>} : memref<8x128xf32, #tpu.memory_space<vmem>>, vector<16xf32>,
      %swap3A_340 = arith.constant 7 : i32
      %swap3A_341 = arith.index_cast %swap3A_340 : i32 to index
      %swap3A_342 = arith.constant 48 : index
      %swap3A_343 = tpu.vector_load %arg7[%swap3A_341, %swap3A_342] {strides = array<i32>} : memref<8x128xf32, #tpu.memory_space<vmem>>, vector<16xf32>,
      tpu.vector_store %arg7[%swap3A_341, %swap3A_342], %gather3A_311 {strides = array<i32>} : memref<8x128xf32, #tpu.memory_space<vmem>>, vector<16xf32>,
      %mul3A_344 = arith.constant 128 : i32
      %mul3A_345 = arith.muli %add3A_64, %mul3A_344 : i32
      %add3A_346 = arith.constant 64 : i32
      %add3A_347 = arith.addi %mul3A_345, %add3A_346 : i32
      %get3A_348 = arith.index_cast %add3A_347 : i32 to index
      %get3A_349 = tpu.vector_load %arg5[%get3A_348] {strides = array<i32>} : memref<4096xi32, #tpu.memory_space<vmem>>, vector<16xi32>,
      %add3A_350 = arith.constant 0 : i32
      %add3A_351 = vector.broadcast %add3A_350 : i32 to vector<16xi32>
      %add3A_352 = arith.addi %get3A_349, %add3A_351 : vector<16xi32>
      %gather3A_353 = tpu.vector_load_idx %arg6[%add3A_352] : memref<8008xf32, #tpu.memory_space<vmem>>[vector<16xi32>], vector<16xf32>,
      %add3A_354 = arith.constant 1001 : i32
      %add3A_355 = vector.broadcast %add3A_354 : i32 to vector<16xi32>
      %add3A_356 = arith.addi %get3A_349, %add3A_355 : vector<16xi32>
      %gather3A_357 = tpu.vector_load_idx %arg6[%add3A_356] : memref<8008xf32, #tpu.memory_space<vmem>>[vector<16xi32>], vector<16xf32>,
      %add3A_358 = arith.constant 2002 : i32
      %add3A_359 = vector.broadcast %add3A_358 : i32 to vector<16xi32>
      %add3A_360 = arith.addi %get3A_349, %add3A_359 : vector<16xi32>
      %gather3A_361 = tpu.vector_load_idx %arg6[%add3A_360] : memref<8008xf32, #tpu.memory_space<vmem>>[vector<16xi32>], vector<16xf32>,
      %add3A_362 = arith.constant 3003 : i32
      %add3A_363 = vector.broadcast %add3A_362 : i32 to vector<16xi32>
      %add3A_364 = arith.addi %get3A_349, %add3A_363 : vector<16xi32>
      %gather3A_365 = tpu.vector_load_idx %arg6[%add3A_364] : memref<8008xf32, #tpu.memory_space<vmem>>[vector<16xi32>], vector<16xf32>,
      %add3A_366 = arith.constant 4004 : i32
      %add3A_367 = vector.broadcast %add3A_366 : i32 to vector<16xi32>
      %add3A_368 = arith.addi %get3A_349, %add3A_367 : vector<16xi32>
      %gather3A_369 = tpu.vector_load_idx %arg6[%add3A_368] : memref<8008xf32, #tpu.memory_space<vmem>>[vector<16xi32>], vector<16xf32>,
      %add3A_370 = arith.constant 5005 : i32
      %add3A_371 = vector.broadcast %add3A_370 : i32 to vector<16xi32>
      %add3A_372 = arith.addi %get3A_349, %add3A_371 : vector<16xi32>
      %gather3A_373 = tpu.vector_load_idx %arg6[%add3A_372] : memref<8008xf32, #tpu.memory_space<vmem>>[vector<16xi32>], vector<16xf32>,
      %add3A_374 = arith.constant 6006 : i32
      %add3A_375 = vector.broadcast %add3A_374 : i32 to vector<16xi32>
      %add3A_376 = arith.addi %get3A_349, %add3A_375 : vector<16xi32>
      %gather3A_377 = tpu.vector_load_idx %arg6[%add3A_376] : memref<8008xf32, #tpu.memory_space<vmem>>[vector<16xi32>], vector<16xf32>,
      %add3A_378 = arith.constant 7007 : i32
      %add3A_379 = vector.broadcast %add3A_378 : i32 to vector<16xi32>
      %add3A_380 = arith.addi %get3A_349, %add3A_379 : vector<16xi32>
      %gather3A_381 = tpu.vector_load_idx %arg6[%add3A_380] : memref<8008xf32, #tpu.memory_space<vmem>>[vector<16xi32>], vector<16xf32>,
      %swap3A_382 = arith.constant 0 : i32
      %swap3A_383 = arith.index_cast %swap3A_382 : i32 to index
      %swap3A_384 = arith.constant 64 : index
      %swap3A_385 = tpu.vector_load %arg7[%swap3A_383, %swap3A_384] {strides = array<i32>} : memref<8x128xf32, #tpu.memory_space<vmem>>, vector<16xf32>,
      tpu.vector_store %arg7[%swap3A_383, %swap3A_384], %gather3A_353 {strides = array<i32>} : memref<8x128xf32, #tpu.memory_space<vmem>>, vector<16xf32>,
      %swap3A_386 = arith.constant 1 : i32
      %swap3A_387 = arith.index_cast %swap3A_386 : i32 to index
      %swap3A_388 = arith.constant 64 : index
      %swap3A_389 = tpu.vector_load %arg7[%swap3A_387, %swap3A_388] {strides = array<i32>} : memref<8x128xf32, #tpu.memory_space<vmem>>, vector<16xf32>,
      tpu.vector_store %arg7[%swap3A_387, %swap3A_388], %gather3A_357 {strides = array<i32>} : memref<8x128xf32, #tpu.memory_space<vmem>>, vector<16xf32>,
      %swap3A_390 = arith.constant 2 : i32
      %swap3A_391 = arith.index_cast %swap3A_390 : i32 to index
      %swap3A_392 = arith.constant 64 : index
      %swap3A_393 = tpu.vector_load %arg7[%swap3A_391, %swap3A_392] {strides = array<i32>} : memref<8x128xf32, #tpu.memory_space<vmem>>, vector<16xf32>,
      tpu.vector_store %arg7[%swap3A_391, %swap3A_392], %gather3A_361 {strides = array<i32>} : memref<8x128xf32, #tpu.memory_space<vmem>>, vector<16xf32>,
      %swap3A_394 = arith.constant 3 : i32
      %swap3A_395 = arith.index_cast %swap3A_394 : i32 to index
      %swap3A_396 = arith.constant 64 : index
      %swap3A_397 = tpu.vector_load %arg7[%swap3A_395, %swap3A_396] {strides = array<i32>} : memref<8x128xf32, #tpu.memory_space<vmem>>, vector<16xf32>,
      tpu.vector_store %arg7[%swap3A_395, %swap3A_396], %gather3A_365 {strides = array<i32>} : memref<8x128xf32, #tpu.memory_space<vmem>>, vector<16xf32>,
      %swap3A_398 = arith.constant 4 : i32
      %swap3A_399 = arith.index_cast %swap3A_398 : i32 to index
      %swap3A_400 = arith.constant 64 : index
      %swap3A_401 = tpu.vector_load %arg7[%swap3A_399, %swap3A_400] {strides = array<i32>} : memref<8x128xf32, #tpu.memory_space<vmem>>, vector<16xf32>,
      tpu.vector_store %arg7[%swap3A_399, %swap3A_400], %gather3A_369 {strides = array<i32>} : memref<8x128xf32, #tpu.memory_space<vmem>>, vector<16xf32>,
      %swap3A_402 = arith.constant 5 : i32
      %swap3A_403 = arith.index_cast %swap3A_402 : i32 to index
      %swap3A_404 = arith.constant 64 : index
      %swap3A_405 = tpu.vector_load %arg7[%swap3A_403, %swap3A_404] {strides = array<i32>} : memref<8x128xf32, #tpu.memory_space<vmem>>, vector<16xf32>,
      tpu.vector_store %arg7[%swap3A_403, %swap3A_404], %gather3A_373 {strides = array<i32>} : memref<8x128xf32, #tpu.memory_space<vmem>>, vector<16xf32>,
      %swap3A_406 = arith.constant 6 : i32
      %swap3A_407 = arith.index_cast %swap3A_406 : i32 to index
      %swap3A_408 = arith.constant 64 : index
      %swap3A_409 = tpu.vector_load %arg7[%swap3A_407, %swap3A_408] {strides = array<i32>} : memref<8x128xf32, #tpu.memory_space<vmem>>, vector<16xf32>,
      tpu.vector_store %arg7[%swap3A_407, %swap3A_408], %gather3A_377 {strides = array<i32>} : memref<8x128xf32, #tpu.memory_space<vmem>>, vector<16xf32>,
      %swap3A_410 = arith.constant 7 : i32
      %swap3A_411 = arith.index_cast %swap3A_410 : i32 to index
      %swap3A_412 = arith.constant 64 : index
      %swap3A_413 = tpu.vector_load %arg7[%swap3A_411, %swap3A_412] {strides = array<i32>} : memref<8x128xf32, #tpu.memory_space<vmem>>, vector<16xf32>,
      tpu.vector_store %arg7[%swap3A_411, %swap3A_412], %gather3A_381 {strides = array<i32>} : memref<8x128xf32, #tpu.memory_space<vmem>>, vector<16xf32>,
      %mul3A_414 = arith.constant 128 : i32
      %mul3A_415 = arith.muli %add3A_64, %mul3A_414 : i32
      %add3A_416 = arith.constant 80 : i32
      %add3A_417 = arith.addi %mul3A_415, %add3A_416 : i32
      %get3A_418 = arith.index_cast %add3A_417 : i32 to index
      %get3A_419 = tpu.vector_load %arg5[%get3A_418] {strides = array<i32>} : memref<4096xi32, #tpu.memory_space<vmem>>, vector<16xi32>,
      %add3A_420 = arith.constant 0 : i32
      %add3A_421 = vector.broadcast %add3A_420 : i32 to vector<16xi32>
      %add3A_422 = arith.addi %get3A_419, %add3A_421 : vector<16xi32>
      %gather3A_423 = tpu.vector_load_idx %arg6[%add3A_422] : memref<8008xf32, #tpu.memory_space<vmem>>[vector<16xi32>], vector<16xf32>,
      %add3A_424 = arith.constant 1001 : i32
      %add3A_425 = vector.broadcast %add3A_424 : i32 to vector<16xi32>
      %add3A_426 = arith.addi %get3A_419, %add3A_425 : vector<16xi32>
      %gather3A_427 = tpu.vector_load_idx %arg6[%add3A_426] : memref<8008xf32, #tpu.memory_space<vmem>>[vector<16xi32>], vector<16xf32>,
      %add3A_428 = arith.constant 2002 : i32
      %add3A_429 = vector.broadcast %add3A_428 : i32 to vector<16xi32>
      %add3A_430 = arith.addi %get3A_419, %add3A_429 : vector<16xi32>
      %gather3A_431 = tpu.vector_load_idx %arg6[%add3A_430] : memref<8008xf32, #tpu.memory_space<vmem>>[vector<16xi32>], vector<16xf32>,
      %add3A_432 = arith.constant 3003 : i32
      %add3A_433 = vector.broadcast %add3A_432 : i32 to vector<16xi32>
      %add3A_434 = arith.addi %get3A_419, %add3A_433 : vector<16xi32>
      %gather3A_435 = tpu.vector_load_idx %arg6[%add3A_434] : memref<8008xf32, #tpu.memory_space<vmem>>[vector<16xi32>], vector<16xf32>,
      %add3A_436 = arith.constant 4004 : i32
      %add3A_437 = vector.broadcast %add3A_436 : i32 to vector<16xi32>
      %add3A_438 = arith.addi %get3A_419, %add3A_437 : vector<16xi32>
      %gather3A_439 = tpu.vector_load_idx %arg6[%add3A_438] : memref<8008xf32, #tpu.memory_space<vmem>>[vector<16xi32>], vector<16xf32>,
      %add3A_440 = arith.constant 5005 : i32
      %add3A_441 = vector.broadcast %add3A_440 : i32 to vector<16xi32>
      %add3A_442 = arith.addi %get3A_419, %add3A_441 : vector<16xi32>
      %gather3A_443 = tpu.vector_load_idx %arg6[%add3A_442] : memref<8008xf32, #tpu.memory_space<vmem>>[vector<16xi32>], vector<16xf32>,
      %add3A_444 = arith.constant 6006 : i32
      %add3A_445 = vector.broadcast %add3A_444 : i32 to vector<16xi32>
      %add3A_446 = arith.addi %get3A_419, %add3A_445 : vector<16xi32>
      %gather3A_447 = tpu.vector_load_idx %arg6[%add3A_446] : memref<8008xf32, #tpu.memory_space<vmem>>[vector<16xi32>], vector<16xf32>,
      %add3A_448 = arith.constant 7007 : i32
      %add3A_449 = vector.broadcast %add3A_448 : i32 to vector<16xi32>
      %add3A_450 = arith.addi %get3A_419, %add3A_449 : vector<16xi32>
      %gather3A_451 = tpu.vector_load_idx %arg6[%add3A_450] : memref<8008xf32, #tpu.memory_space<vmem>>[vector<16xi32>], vector<16xf32>,
      %swap3A_452 = arith.constant 0 : i32
      %swap3A_453 = arith.index_cast %swap3A_452 : i32 to index
      %swap3A_454 = arith.constant 80 : index
      %swap3A_455 = tpu.vector_load %arg7[%swap3A_453, %swap3A_454] {strides = array<i32>} : memref<8x128xf32, #tpu.memory_space<vmem>>, vector<16xf32>,
      tpu.vector_store %arg7[%swap3A_453, %swap3A_454], %gather3A_423 {strides = array<i32>} : memref<8x128xf32, #tpu.memory_space<vmem>>, vector<16xf32>,
      %swap3A_456 = arith.constant 1 : i32
      %swap3A_457 = arith.index_cast %swap3A_456 : i32 to index
      %swap3A_458 = arith.constant 80 : index
      %swap3A_459 = tpu.vector_load %arg7[%swap3A_457, %swap3A_458] {strides = array<i32>} : memref<8x128xf32, #tpu.memory_space<vmem>>, vector<16xf32>,
      tpu.vector_store %arg7[%swap3A_457, %swap3A_458], %gather3A_427 {strides = array<i32>} : memref<8x128xf32, #tpu.memory_space<vmem>>, vector<16xf32>,
      %swap3A_460 = arith.constant 2 : i32
      %swap3A_461 = arith.index_cast %swap3A_460 : i32 to index
      %swap3A_462 = arith.constant 80 : index
      %swap3A_463 = tpu.vector_load %arg7[%swap3A_461, %swap3A_462] {strides = array<i32>} : memref<8x128xf32, #tpu.memory_space<vmem>>, vector<16xf32>,
      tpu.vector_store %arg7[%swap3A_461, %swap3A_462], %gather3A_431 {strides = array<i32>} : memref<8x128xf32, #tpu.memory_space<vmem>>, vector<16xf32>,
      %swap3A_464 = arith.constant 3 : i32
      %swap3A_465 = arith.index_cast %swap3A_464 : i32 to index
      %swap3A_466 = arith.constant 80 : index
      %swap3A_467 = tpu.vector_load %arg7[%swap3A_465, %swap3A_466] {strides = array<i32>} : memref<8x128xf32, #tpu.memory_space<vmem>>, vector<16xf32>,
      tpu.vector_store %arg7[%swap3A_465, %swap3A_466], %gather3A_435 {strides = array<i32>} : memref<8x128xf32, #tpu.memory_space<vmem>>, vector<16xf32>,
      %swap3A_468 = arith.constant 4 : i32
      %swap3A_469 = arith.index_cast %swap3A_468 : i32 to index
      %swap3A_470 = arith.constant 80 : index
      %swap3A_471 = tpu.vector_load %arg7[%swap3A_469, %swap3A_470] {strides = array<i32>} : memref<8x128xf32, #tpu.memory_space<vmem>>, vector<16xf32>,
      tpu.vector_store %arg7[%swap3A_469, %swap3A_470], %gather3A_439 {strides = array<i32>} : memref<8x128xf32, #tpu.memory_space<vmem>>, vector<16xf32>,
      %swap3A_472 = arith.constant 5 : i32
      %swap3A_473 = arith.index_cast %swap3A_472 : i32 to index
      %swap3A_474 = arith.constant 80 : index
      %swap3A_475 = tpu.vector_load %arg7[%swap3A_473, %swap3A_474] {strides = array<i32>} : memref<8x128xf32, #tpu.memory_space<vmem>>, vector<16xf32>,
      tpu.vector_store %arg7[%swap3A_473, %swap3A_474], %gather3A_443 {strides = array<i32>} : memref<8x128xf32, #tpu.memory_space<vmem>>, vector<16xf32>,
      %swap3A_476 = arith.constant 6 : i32
      %swap3A_477 = arith.index_cast %swap3A_476 : i32 to index
      %swap3A_478 = arith.constant 80 : index
      %swap3A_479 = tpu.vector_load %arg7[%swap3A_477, %swap3A_478] {strides = array<i32>} : memref<8x128xf32, #tpu.memory_space<vmem>>, vector<16xf32>,
      tpu.vector_store %arg7[%swap3A_477, %swap3A_478], %gather3A_447 {strides = array<i32>} : memref<8x128xf32, #tpu.memory_space<vmem>>, vector<16xf32>,
      %swap3A_480 = arith.constant 7 : i32
      %swap3A_481 = arith.index_cast %swap3A_480 : i32 to index
      %swap3A_482 = arith.constant 80 : index
      %swap3A_483 = tpu.vector_load %arg7[%swap3A_481, %swap3A_482] {strides = array<i32>} : memref<8x128xf32, #tpu.memory_space<vmem>>, vector<16xf32>,
      tpu.vector_store %arg7[%swap3A_481, %swap3A_482], %gather3A_451 {strides = array<i32>} : memref<8x128xf32, #tpu.memory_space<vmem>>, vector<16xf32>,
      %mul3A_484 = arith.constant 128 : i32
      %mul3A_485 = arith.muli %add3A_64, %mul3A_484 : i32
      %add3A_486 = arith.constant 96 : i32
      %add3A_487 = arith.addi %mul3A_485, %add3A_486 : i32
      %get3A_488 = arith.index_cast %add3A_487 : i32 to index
      %get3A_489 = tpu.vector_load %arg5[%get3A_488] {strides = array<i32>} : memref<4096xi32, #tpu.memory_space<vmem>>, vector<16xi32>,
      %add3A_490 = arith.constant 0 : i32
      %add3A_491 = vector.broadcast %add3A_490 : i32 to vector<16xi32>
      %add3A_492 = arith.addi %get3A_489, %add3A_491 : vector<16xi32>
      %gather3A_493 = tpu.vector_load_idx %arg6[%add3A_492] : memref<8008xf32, #tpu.memory_space<vmem>>[vector<16xi32>], vector<16xf32>,
      %add3A_494 = arith.constant 1001 : i32
      %add3A_495 = vector.broadcast %add3A_494 : i32 to vector<16xi32>
      %add3A_496 = arith.addi %get3A_489, %add3A_495 : vector<16xi32>
      %gather3A_497 = tpu.vector_load_idx %arg6[%add3A_496] : memref<8008xf32, #tpu.memory_space<vmem>>[vector<16xi32>], vector<16xf32>,
      %add3A_498 = arith.constant 2002 : i32
      %add3A_499 = vector.broadcast %add3A_498 : i32 to vector<16xi32>
      %add3A_500 = arith.addi %get3A_489, %add3A_499 : vector<16xi32>
      %gather3A_501 = tpu.vector_load_idx %arg6[%add3A_500] : memref<8008xf32, #tpu.memory_space<vmem>>[vector<16xi32>], vector<16xf32>,
      %add3A_502 = arith.constant 3003 : i32
      %add3A_503 = vector.broadcast %add3A_502 : i32 to vector<16xi32>
      %add3A_504 = arith.addi %get3A_489, %add3A_503 : vector<16xi32>
      %gather3A_505 = tpu.vector_load_idx %arg6[%add3A_504] : memref<8008xf32, #tpu.memory_space<vmem>>[vector<16xi32>], vector<16xf32>,
      %add3A_506 = arith.constant 4004 : i32
      %add3A_507 = vector.broadcast %add3A_506 : i32 to vector<16xi32>
      %add3A_508 = arith.addi %get3A_489, %add3A_507 : vector<16xi32>
      %gather3A_509 = tpu.vector_load_idx %arg6[%add3A_508] : memref<8008xf32, #tpu.memory_space<vmem>>[vector<16xi32>], vector<16xf32>,
      %add3A_510 = arith.constant 5005 : i32
      %add3A_511 = vector.broadcast %add3A_510 : i32 to vector<16xi32>
      %add3A_512 = arith.addi %get3A_489, %add3A_511 : vector<16xi32>
      %gather3A_513 = tpu.vector_load_idx %arg6[%add3A_512] : memref<8008xf32, #tpu.memory_space<vmem>>[vector<16xi32>], vector<16xf32>,
      %add3A_514 = arith.constant 6006 : i32
      %add3A_515 = vector.broadcast %add3A_514 : i32 to vector<16xi32>
      %add3A_516 = arith.addi %get3A_489, %add3A_515 : vector<16xi32>
      %gather3A_517 = tpu.vector_load_idx %arg6[%add3A_516] : memref<8008xf32, #tpu.memory_space<vmem>>[vector<16xi32>], vector<16xf32>,
      %add3A_518 = arith.constant 7007 : i32
      %add3A_519 = vector.broadcast %add3A_518 : i32 to vector<16xi32>
      %add3A_520 = arith.addi %get3A_489, %add3A_519 : vector<16xi32>
      %gather3A_521 = tpu.vector_load_idx %arg6[%add3A_520] : memref<8008xf32, #tpu.memory_space<vmem>>[vector<16xi32>], vector<16xf32>,
      %swap3A_522 = arith.constant 0 : i32
      %swap3A_523 = arith.index_cast %swap3A_522 : i32 to index
      %swap3A_524 = arith.constant 96 : index
      %swap3A_525 = tpu.vector_load %arg7[%swap3A_523, %swap3A_524] {strides = array<i32>} : memref<8x128xf32, #tpu.memory_space<vmem>>, vector<16xf32>,
      tpu.vector_store %arg7[%swap3A_523, %swap3A_524], %gather3A_493 {strides = array<i32>} : memref<8x128xf32, #tpu.memory_space<vmem>>, vector<16xf32>,
      %swap3A_526 = arith.constant 1 : i32
      %swap3A_527 = arith.index_cast %swap3A_526 : i32 to index
      %swap3A_528 = arith.constant 96 : index
      %swap3A_529 = tpu.vector_load %arg7[%swap3A_527, %swap3A_528] {strides = array<i32>} : memref<8x128xf32, #tpu.memory_space<vmem>>, vector<16xf32>,
      tpu.vector_store %arg7[%swap3A_527, %swap3A_528], %gather3A_497 {strides = array<i32>} : memref<8x128xf32, #tpu.memory_space<vmem>>, vector<16xf32>,
      %swap3A_530 = arith.constant 2 : i32
      %swap3A_531 = arith.index_cast %swap3A_530 : i32 to index
      %swap3A_532 = arith.constant 96 : index
      %swap3A_533 = tpu.vector_load %arg7[%swap3A_531, %swap3A_532] {strides = array<i32>} : memref<8x128xf32, #tpu.memory_space<vmem>>, vector<16xf32>,
      tpu.vector_store %arg7[%swap3A_531, %swap3A_532], %gather3A_501 {strides = array<i32>} : memref<8x128xf32, #tpu.memory_space<vmem>>, vector<16xf32>,
      %swap3A_534 = arith.constant 3 : i32
      %swap3A_535 = arith.index_cast %swap3A_534 : i32 to index
      %swap3A_536 = arith.constant 96 : index
      %swap3A_537 = tpu.vector_load %arg7[%swap3A_535, %swap3A_536] {strides = array<i32>} : memref<8x128xf32, #tpu.memory_space<vmem>>, vector<16xf32>,
      tpu.vector_store %arg7[%swap3A_535, %swap3A_536], %gather3A_505 {strides = array<i32>} : memref<8x128xf32, #tpu.memory_space<vmem>>, vector<16xf32>,
      %swap3A_538 = arith.constant 4 : i32
      %swap3A_539 = arith.index_cast %swap3A_538 : i32 to index
      %swap3A_540 = arith.constant 96 : index
      %swap3A_541 = tpu.vector_load %arg7[%swap3A_539, %swap3A_540] {strides = array<i32>} : memref<8x128xf32, #tpu.memory_space<vmem>>, vector<16xf32>,
      tpu.vector_store %arg7[%swap3A_539, %swap3A_540], %gather3A_509 {strides = array<i32>} : memref<8x128xf32, #tpu.memory_space<vmem>>, vector<16xf32>,
      %swap3A_542 = arith.constant 5 : i32
      %swap3A_543 = arith.index_cast %swap3A_542 : i32 to index
      %swap3A_544 = arith.constant 96 : index
      %swap3A_545 = tpu.vector_load %arg7[%swap3A_543, %swap3A_544] {strides = array<i32>} : memref<8x128xf32, #tpu.memory_space<vmem>>, vector<16xf32>,
      tpu.vector_store %arg7[%swap3A_543, %swap3A_544], %gather3A_513 {strides = array<i32>} : memref<8x128xf32, #tpu.memory_space<vmem>>, vector<16xf32>,
      %swap3A_546 = arith.constant 6 : i32
      %swap3A_547 = arith.index_cast %swap3A_546 : i32 to index
      %swap3A_548 = arith.constant 96 : index
      %swap3A_549 = tpu.vector_load %arg7[%swap3A_547, %swap3A_548] {strides = array<i32>} : memref<8x128xf32, #tpu.memory_space<vmem>>, vector<16xf32>,
      tpu.vector_store %arg7[%swap3A_547, %swap3A_548], %gather3A_517 {strides = array<i32>} : memref<8x128xf32, #tpu.memory_space<vmem>>, vector<16xf32>,
      %swap3A_550 = arith.constant 7 : i32
      %swap3A_551 = arith.index_cast %swap3A_550 : i32 to index
      %swap3A_552 = arith.constant 96 : index
      %swap3A_553 = tpu.vector_load %arg7[%swap3A_551, %swap3A_552] {strides = array<i32>} : memref<8x128xf32, #tpu.memory_space<vmem>>, vector<16xf32>,
      tpu.vector_store %arg7[%swap3A_551, %swap3A_552], %gather3A_521 {strides = array<i32>} : memref<8x128xf32, #tpu.memory_space<vmem>>, vector<16xf32>,
      %mul3A_554 = arith.constant 128 : i32
      %mul3A_555 = arith.muli %add3A_64, %mul3A_554 : i32
      %add3A_556 = arith.constant 112 : i32
      %add3A_557 = arith.addi %mul3A_555, %add3A_556 : i32
      %get3A_558 = arith.index_cast %add3A_557 : i32 to index
      %get3A_559 = tpu.vector_load %arg5[%get3A_558] {strides = array<i32>} : memref<4096xi32, #tpu.memory_space<vmem>>, vector<16xi32>,
      %add3A_560 = arith.constant 0 : i32
      %add3A_561 = vector.broadcast %add3A_560 : i32 to vector<16xi32>
      %add3A_562 = arith.addi %get3A_559, %add3A_561 : vector<16xi32>
      %gather3A_563 = tpu.vector_load_idx %arg6[%add3A_562] : memref<8008xf32, #tpu.memory_space<vmem>>[vector<16xi32>], vector<16xf32>,
      %add3A_564 = arith.constant 1001 : i32
      %add3A_565 = vector.broadcast %add3A_564 : i32 to vector<16xi32>
      %add3A_566 = arith.addi %get3A_559, %add3A_565 : vector<16xi32>
      %gather3A_567 = tpu.vector_load_idx %arg6[%add3A_566] : memref<8008xf32, #tpu.memory_space<vmem>>[vector<16xi32>], vector<16xf32>,
      %add3A_568 = arith.constant 2002 : i32
      %add3A_569 = vector.broadcast %add3A_568 : i32 to vector<16xi32>
      %add3A_570 = arith.addi %get3A_559, %add3A_569 : vector<16xi32>
      %gather3A_571 = tpu.vector_load_idx %arg6[%add3A_570] : memref<8008xf32, #tpu.memory_space<vmem>>[vector<16xi32>], vector<16xf32>,
      %add3A_572 = arith.constant 3003 : i32
      %add3A_573 = vector.broadcast %add3A_572 : i32 to vector<16xi32>
      %add3A_574 = arith.addi %get3A_559, %add3A_573 : vector<16xi32>
      %gather3A_575 = tpu.vector_load_idx %arg6[%add3A_574] : memref<8008xf32, #tpu.memory_space<vmem>>[vector<16xi32>], vector<16xf32>,
      %add3A_576 = arith.constant 4004 : i32
      %add3A_577 = vector.broadcast %add3A_576 : i32 to vector<16xi32>
      %add3A_578 = arith.addi %get3A_559, %add3A_577 : vector<16xi32>
      %gather3A_579 = tpu.vector_load_idx %arg6[%add3A_578] : memref<8008xf32, #tpu.memory_space<vmem>>[vector<16xi32>], vector<16xf32>,
      %add3A_580 = arith.constant 5005 : i32
      %add3A_581 = vector.broadcast %add3A_580 : i32 to vector<16xi32>
      %add3A_582 = arith.addi %get3A_559, %add3A_581 : vector<16xi32>
      %gather3A_583 = tpu.vector_load_idx %arg6[%add3A_582] : memref<8008xf32, #tpu.memory_space<vmem>>[vector<16xi32>], vector<16xf32>,
      %add3A_584 = arith.constant 6006 : i32
      %add3A_585 = vector.broadcast %add3A_584 : i32 to vector<16xi32>
      %add3A_586 = arith.addi %get3A_559, %add3A_585 : vector<16xi32>
      %gather3A_587 = tpu.vector_load_idx %arg6[%add3A_586] : memref<8008xf32, #tpu.memory_space<vmem>>[vector<16xi32>], vector<16xf32>,
      %add3A_588 = arith.constant 7007 : i32
      %add3A_589 = vector.broadcast %add3A_588 : i32 to vector<16xi32>
      %add3A_590 = arith.addi %get3A_559, %add3A_589 : vector<16xi32>
      %gather3A_591 = tpu.vector_load_idx %arg6[%add3A_590] : memref<8008xf32, #tpu.memory_space<vmem>>[vector<16xi32>], vector<16xf32>,
      %swap3A_592 = arith.constant 0 : i32
      %swap3A_593 = arith.index_cast %swap3A_592 : i32 to index
      %swap3A_594 = arith.constant 112 : index
      %swap3A_595 = tpu.vector_load %arg7[%swap3A_593, %swap3A_594] {strides = array<i32>} : memref<8x128xf32, #tpu.memory_space<vmem>>, vector<16xf32>,
      tpu.vector_store %arg7[%swap3A_593, %swap3A_594], %gather3A_563 {strides = array<i32>} : memref<8x128xf32, #tpu.memory_space<vmem>>, vector<16xf32>,
      %swap3A_596 = arith.constant 1 : i32
      %swap3A_597 = arith.index_cast %swap3A_596 : i32 to index
      %swap3A_598 = arith.constant 112 : index
      %swap3A_599 = tpu.vector_load %arg7[%swap3A_597, %swap3A_598] {strides = array<i32>} : memref<8x128xf32, #tpu.memory_space<vmem>>, vector<16xf32>,
      tpu.vector_store %arg7[%swap3A_597, %swap3A_598], %gather3A_567 {strides = array<i32>} : memref<8x128xf32, #tpu.memory_space<vmem>>, vector<16xf32>,
      %swap3A_600 = arith.constant 2 : i32
      %swap3A_601 = arith.index_cast %swap3A_600 : i32 to index
      %swap3A_602 = arith.constant 112 : index
      %swap3A_603 = tpu.vector_load %arg7[%swap3A_601, %swap3A_602] {strides = array<i32>} : memref<8x128xf32, #tpu.memory_space<vmem>>, vector<16xf32>,
      tpu.vector_store %arg7[%swap3A_601, %swap3A_602], %gather3A_571 {strides = array<i32>} : memref<8x128xf32, #tpu.memory_space<vmem>>, vector<16xf32>,
      %swap3A_604 = arith.constant 3 : i32
      %swap3A_605 = arith.index_cast %swap3A_604 : i32 to index
      %swap3A_606 = arith.constant 112 : index
      %swap3A_607 = tpu.vector_load %arg7[%swap3A_605, %swap3A_606] {strides = array<i32>} : memref<8x128xf32, #tpu.memory_space<vmem>>, vector<16xf32>,
      tpu.vector_store %arg7[%swap3A_605, %swap3A_606], %gather3A_575 {strides = array<i32>} : memref<8x128xf32, #tpu.memory_space<vmem>>, vector<16xf32>,
      %swap3A_608 = arith.constant 4 : i32
      %swap3A_609 = arith.index_cast %swap3A_608 : i32 to index
      %swap3A_610 = arith.constant 112 : index
      %swap3A_611 = tpu.vector_load %arg7[%swap3A_609, %swap3A_610] {strides = array<i32>} : memref<8x128xf32, #tpu.memory_space<vmem>>, vector<16xf32>,
      tpu.vector_store %arg7[%swap3A_609, %swap3A_610], %gather3A_579 {strides = array<i32>} : memref<8x128xf32, #tpu.memory_space<vmem>>, vector<16xf32>,
      %swap3A_612 = arith.constant 5 : i32
      %swap3A_613 = arith.index_cast %swap3A_612 : i32 to index
      %swap3A_614 = arith.constant 112 : index
      %swap3A_615 = tpu.vector_load %arg7[%swap3A_613, %swap3A_614] {strides = array<i32>} : memref<8x128xf32, #tpu.memory_space<vmem>>, vector<16xf32>,
      tpu.vector_store %arg7[%swap3A_613, %swap3A_614], %gather3A_583 {strides = array<i32>} : memref<8x128xf32, #tpu.memory_space<vmem>>, vector<16xf32>,
      %swap3A_616 = arith.constant 6 : i32
      %swap3A_617 = arith.index_cast %swap3A_616 : i32 to index
      %swap3A_618 = arith.constant 112 : index
      %swap3A_619 = tpu.vector_load %arg7[%swap3A_617, %swap3A_618] {strides = array<i32>} : memref<8x128xf32, #tpu.memory_space<vmem>>, vector<16xf32>,
      tpu.vector_store %arg7[%swap3A_617, %swap3A_618], %gather3A_587 {strides = array<i32>} : memref<8x128xf32, #tpu.memory_space<vmem>>, vector<16xf32>,
      %swap3A_620 = arith.constant 7 : i32
      %swap3A_621 = arith.index_cast %swap3A_620 : i32 to index
      %swap3A_622 = arith.constant 112 : index
      %swap3A_623 = tpu.vector_load %arg7[%swap3A_621, %swap3A_622] {strides = array<i32>} : memref<8x128xf32, #tpu.memory_space<vmem>>, vector<16xf32>,
      tpu.vector_store %arg7[%swap3A_621, %swap3A_622], %gather3A_591 {strides = array<i32>} : memref<8x128xf32, #tpu.memory_space<vmem>>, vector<16xf32>,
      %mul3A_624 = arith.constant 128 : i32
      %mul3A_625 = arith.muli %add3A_64, %mul3A_624 : i32
      %add3A_626 = arith.addi %mul3A_34, %mul3A_625 : i32
      %dma_start3A_627 = tpu.memref_slice %arg4[%mul3A_32, %add3A_626] : memref<64x16384xf32, #tpu.memory_space<hbm>> -> memref<8x128xf32, #tpu.memory_space<hbm>>
      %dma_start3A_628 = tpu.memref_slice %arg4[%mul3A_32, %add3A_626] : memref<64x16384xf32, #tpu.memory_space<hbm>> -> memref<8x128xf32, #tpu.memory_space<hbm>>
      tpu.enqueue_dma source(%arg7 : memref<8x128xf32, #tpu.memory_space<vmem>>) target(%dma_start3A_628 : memref<8x128xf32, #tpu.memory_space<hbm>>) target_semaphore(%arg11 : memref<!tpu.dma_semaphore, #tpu.memory_space<semaphore_mem>>)
      %mul3A_629 = arith.constant 2 : i32
      %mul3A_630 = arith.muli %mul3A_629, %scan3A_60 : i32
      %add3A_631 = arith.constant 1 : i32
      %add3A_632 = arith.addi %mul3A_630, %add3A_631 : i32
      %gt3A_633 = arith.constant 0 : i32
      %gt3A_634 = arith.cmpi sgt, %scan3A_60, %gt3A_633 : i32
      %convert_element_type3A_635 = arith.extui %gt3A_634 : i1 to i32
      %cond3A_636 = arith.constant 0 : i32
      %cond3A_637 = arith.cmpi ne, %convert_element_type3A_635, %cond3A_636 : i32
      scf.if %cond3A_637 {
        %dma_wait3A_1203 = arith.constant 0 : i32
        %dma_wait3A_1204 = arith.constant 0 : i32
        %dma_wait3A_1205 = tpu.memref_slice %arg4[%dma_wait3A_1203, %dma_wait3A_1204] : memref<64x16384xf32, #tpu.memory_space<hbm>> -> memref<8x128xf32, #tpu.memory_space<hbm>>
        %dma_wait3A_1206 = arith.constant 0 : i32
        %dma_wait3A_1207 = arith.constant 0 : i32
        %dma_wait3A_1208 = tpu.memref_slice %arg4[%dma_wait3A_1206, %dma_wait3A_1207] : memref<64x16384xf32, #tpu.memory_space<hbm>> -> memref<8x128xf32, #tpu.memory_space<hbm>>
        tpu.wait_dma2 semaphore(%arg12 : memref<!tpu.dma_semaphore, #tpu.memory_space<semaphore_mem>>) src(%arg8 : memref<8x128xf32, #tpu.memory_space<vmem>>) dst(%dma_wait3A_1208 : memref<8x128xf32, #tpu.memory_space<hbm>>)
      } else {
      }
      %mul3A_638 = arith.constant 128 : i32
      %mul3A_639 = arith.muli %add3A_632, %mul3A_638 : i32
      %add3A_640 = arith.constant 0 : i32
      %add3A_641 = arith.addi %mul3A_639, %add3A_640 : i32
      %get3A_642 = arith.index_cast %add3A_641 : i32 to index
      %get3A_643 = tpu.vector_load %arg5[%get3A_642] {strides = array<i32>} : memref<4096xi32, #tpu.memory_space<vmem>>, vector<16xi32>,
      %add3A_644 = arith.constant 0 : i32
      %add3A_645 = vector.broadcast %add3A_644 : i32 to vector<16xi32>
      %add3A_646 = arith.addi %get3A_643, %add3A_645 : vector<16xi32>
      %gather3A_647 = tpu.vector_load_idx %arg6[%add3A_646] : memref<8008xf32, #tpu.memory_space<vmem>>[vector<16xi32>], vector<16xf32>,
      %add3A_648 = arith.constant 1001 : i32
      %add3A_649 = vector.broadcast %add3A_648 : i32 to vector<16xi32>
      %add3A_650 = arith.addi %get3A_643, %add3A_649 : vector<16xi32>
      %gather3A_651 = tpu.vector_load_idx %arg6[%add3A_650] : memref<8008xf32, #tpu.memory_space<vmem>>[vector<16xi32>], vector<16xf32>,
      %add3A_652 = arith.constant 2002 : i32
      %add3A_653 = vector.broadcast %add3A_652 : i32 to vector<16xi32>
      %add3A_654 = arith.addi %get3A_643, %add3A_653 : vector<16xi32>
      %gather3A_655 = tpu.vector_load_idx %arg6[%add3A_654] : memref<8008xf32, #tpu.memory_space<vmem>>[vector<16xi32>], vector<16xf32>,
      %add3A_656 = arith.constant 3003 : i32
      %add3A_657 = vector.broadcast %add3A_656 : i32 to vector<16xi32>
      %add3A_658 = arith.addi %get3A_643, %add3A_657 : vector<16xi32>
      %gather3A_659 = tpu.vector_load_idx %arg6[%add3A_658] : memref<8008xf32, #tpu.memory_space<vmem>>[vector<16xi32>], vector<16xf32>,
      %add3A_660 = arith.constant 4004 : i32
      %add3A_661 = vector.broadcast %add3A_660 : i32 to vector<16xi32>
      %add3A_662 = arith.addi %get3A_643, %add3A_661 : vector<16xi32>
      %gather3A_663 = tpu.vector_load_idx %arg6[%add3A_662] : memref<8008xf32, #tpu.memory_space<vmem>>[vector<16xi32>], vector<16xf32>,
      %add3A_664 = arith.constant 5005 : i32
      %add3A_665 = vector.broadcast %add3A_664 : i32 to vector<16xi32>
      %add3A_666 = arith.addi %get3A_643, %add3A_665 : vector<16xi32>
      %gather3A_667 = tpu.vector_load_idx %arg6[%add3A_666] : memref<8008xf32, #tpu.memory_space<vmem>>[vector<16xi32>], vector<16xf32>,
      %add3A_668 = arith.constant 6006 : i32
      %add3A_669 = vector.broadcast %add3A_668 : i32 to vector<16xi32>
      %add3A_670 = arith.addi %get3A_643, %add3A_669 : vector<16xi32>
      %gather3A_671 = tpu.vector_load_idx %arg6[%add3A_670] : memref<8008xf32, #tpu.memory_space<vmem>>[vector<16xi32>], vector<16xf32>,
      %add3A_672 = arith.constant 7007 : i32
      %add3A_673 = vector.broadcast %add3A_672 : i32 to vector<16xi32>
      %add3A_674 = arith.addi %get3A_643, %add3A_673 : vector<16xi32>
      %gather3A_675 = tpu.vector_load_idx %arg6[%add3A_674] : memref<8008xf32, #tpu.memory_space<vmem>>[vector<16xi32>], vector<16xf32>,
      %swap3A_676 = arith.constant 0 : i32
      %swap3A_677 = arith.index_cast %swap3A_676 : i32 to index
      %swap3A_678 = arith.constant 0 : index
      %swap3A_679 = tpu.vector_load %arg8[%swap3A_677, %swap3A_678] {strides = array<i32>} : memref<8x128xf32, #tpu.memory_space<vmem>>, vector<16xf32>,
      tpu.vector_store %arg8[%swap3A_677, %swap3A_678], %gather3A_647 {strides = array<i32>} : memref<8x128xf32, #tpu.memory_space<vmem>>, vector<16xf32>,
      %swap3A_680 = arith.constant 1 : i32
      %swap3A_681 = arith.index_cast %swap3A_680 : i32 to index
      %swap3A_682 = arith.constant 0 : index
      %swap3A_683 = tpu.vector_load %arg8[%swap3A_681, %swap3A_682] {strides = array<i32>} : memref<8x128xf32, #tpu.memory_space<vmem>>, vector<16xf32>,
      tpu.vector_store %arg8[%swap3A_681, %swap3A_682], %gather3A_651 {strides = array<i32>} : memref<8x128xf32, #tpu.memory_space<vmem>>, vector<16xf32>,
      %swap3A_684 = arith.constant 2 : i32
      %swap3A_685 = arith.index_cast %swap3A_684 : i32 to index
      %swap3A_686 = arith.constant 0 : index
      %swap3A_687 = tpu.vector_load %arg8[%swap3A_685, %swap3A_686] {strides = array<i32>} : memref<8x128xf32, #tpu.memory_space<vmem>>, vector<16xf32>,
      tpu.vector_store %arg8[%swap3A_685, %swap3A_686], %gather3A_655 {strides = array<i32>} : memref<8x128xf32, #tpu.memory_space<vmem>>, vector<16xf32>,
      %swap3A_688 = arith.constant 3 : i32
      %swap3A_689 = arith.index_cast %swap3A_688 : i32 to index
      %swap3A_690 = arith.constant 0 : index
      %swap3A_691 = tpu.vector_load %arg8[%swap3A_689, %swap3A_690] {strides = array<i32>} : memref<8x128xf32, #tpu.memory_space<vmem>>, vector<16xf32>,
      tpu.vector_store %arg8[%swap3A_689, %swap3A_690], %gather3A_659 {strides = array<i32>} : memref<8x128xf32, #tpu.memory_space<vmem>>, vector<16xf32>,
      %swap3A_692 = arith.constant 4 : i32
      %swap3A_693 = arith.index_cast %swap3A_692 : i32 to index
      %swap3A_694 = arith.constant 0 : index
      %swap3A_695 = tpu.vector_load %arg8[%swap3A_693, %swap3A_694] {strides = array<i32>} : memref<8x128xf32, #tpu.memory_space<vmem>>, vector<16xf32>,
      tpu.vector_store %arg8[%swap3A_693, %swap3A_694], %gather3A_663 {strides = array<i32>} : memref<8x128xf32, #tpu.memory_space<vmem>>, vector<16xf32>,
      %swap3A_696 = arith.constant 5 : i32
      %swap3A_697 = arith.index_cast %swap3A_696 : i32 to index
      %swap3A_698 = arith.constant 0 : index
      %swap3A_699 = tpu.vector_load %arg8[%swap3A_697, %swap3A_698] {strides = array<i32>} : memref<8x128xf32, #tpu.memory_space<vmem>>, vector<16xf32>,
      tpu.vector_store %arg8[%swap3A_697, %swap3A_698], %gather3A_667 {strides = array<i32>} : memref<8x128xf32, #tpu.memory_space<vmem>>, vector<16xf32>,
      %swap3A_700 = arith.constant 6 : i32
      %swap3A_701 = arith.index_cast %swap3A_700 : i32 to index
      %swap3A_702 = arith.constant 0 : index
      %swap3A_703 = tpu.vector_load %arg8[%swap3A_701, %swap3A_702] {strides = array<i32>} : memref<8x128xf32, #tpu.memory_space<vmem>>, vector<16xf32>,
      tpu.vector_store %arg8[%swap3A_701, %swap3A_702], %gather3A_671 {strides = array<i32>} : memref<8x128xf32, #tpu.memory_space<vmem>>, vector<16xf32>,
      %swap3A_704 = arith.constant 7 : i32
      %swap3A_705 = arith.index_cast %swap3A_704 : i32 to index
      %swap3A_706 = arith.constant 0 : index
      %swap3A_707 = tpu.vector_load %arg8[%swap3A_705, %swap3A_706] {strides = array<i32>} : memref<8x128xf32, #tpu.memory_space<vmem>>, vector<16xf32>,
      tpu.vector_store %arg8[%swap3A_705, %swap3A_706], %gather3A_675 {strides = array<i32>} : memref<8x128xf32, #tpu.memory_space<vmem>>, vector<16xf32>,
      %mul3A_708 = arith.constant 128 : i32
      %mul3A_709 = arith.muli %add3A_632, %mul3A_708 : i32
      %add3A_710 = arith.constant 16 : i32
      %add3A_711 = arith.addi %mul3A_709, %add3A_710 : i32
      %get3A_712 = arith.index_cast %add3A_711 : i32 to index
      %get3A_713 = tpu.vector_load %arg5[%get3A_712] {strides = array<i32>} : memref<4096xi32, #tpu.memory_space<vmem>>, vector<16xi32>,
      %add3A_714 = arith.constant 0 : i32
      %add3A_715 = vector.broadcast %add3A_714 : i32 to vector<16xi32>
      %add3A_716 = arith.addi %get3A_713, %add3A_715 : vector<16xi32>
      %gather3A_717 = tpu.vector_load_idx %arg6[%add3A_716] : memref<8008xf32, #tpu.memory_space<vmem>>[vector<16xi32>], vector<16xf32>,
      %add3A_718 = arith.constant 1001 : i32
      %add3A_719 = vector.broadcast %add3A_718 : i32 to vector<16xi32>
      %add3A_720 = arith.addi %get3A_713, %add3A_719 : vector<16xi32>
      %gather3A_721 = tpu.vector_load_idx %arg6[%add3A_720] : memref<8008xf32, #tpu.memory_space<vmem>>[vector<16xi32>], vector<16xf32>,
      %add3A_722 = arith.constant 2002 : i32
      %add3A_723 = vector.broadcast %add3A_722 : i32 to vector<16xi32>
      %add3A_724 = arith.addi %get3A_713, %add3A_723 : vector<16xi32>
      %gather3A_725 = tpu.vector_load_idx %arg6[%add3A_724] : memref<8008xf32, #tpu.memory_space<vmem>>[vector<16xi32>], vector<16xf32>,
      %add3A_726 = arith.constant 3003 : i32
      %add3A_727 = vector.broadcast %add3A_726 : i32 to vector<16xi32>
      %add3A_728 = arith.addi %get3A_713, %add3A_727 : vector<16xi32>
      %gather3A_729 = tpu.vector_load_idx %arg6[%add3A_728] : memref<8008xf32, #tpu.memory_space<vmem>>[vector<16xi32>], vector<16xf32>,
      %add3A_730 = arith.constant 4004 : i32
      %add3A_731 = vector.broadcast %add3A_730 : i32 to vector<16xi32>
      %add3A_732 = arith.addi %get3A_713, %add3A_731 : vector<16xi32>
      %gather3A_733 = tpu.vector_load_idx %arg6[%add3A_732] : memref<8008xf32, #tpu.memory_space<vmem>>[vector<16xi32>], vector<16xf32>,
      %add3A_734 = arith.constant 5005 : i32
      %add3A_735 = vector.broadcast %add3A_734 : i32 to vector<16xi32>
      %add3A_736 = arith.addi %get3A_713, %add3A_735 : vector<16xi32>
      %gather3A_737 = tpu.vector_load_idx %arg6[%add3A_736] : memref<8008xf32, #tpu.memory_space<vmem>>[vector<16xi32>], vector<16xf32>,
      %add3A_738 = arith.constant 6006 : i32
      %add3A_739 = vector.broadcast %add3A_738 : i32 to vector<16xi32>
      %add3A_740 = arith.addi %get3A_713, %add3A_739 : vector<16xi32>
      %gather3A_741 = tpu.vector_load_idx %arg6[%add3A_740] : memref<8008xf32, #tpu.memory_space<vmem>>[vector<16xi32>], vector<16xf32>,
      %add3A_742 = arith.constant 7007 : i32
      %add3A_743 = vector.broadcast %add3A_742 : i32 to vector<16xi32>
      %add3A_744 = arith.addi %get3A_713, %add3A_743 : vector<16xi32>
      %gather3A_745 = tpu.vector_load_idx %arg6[%add3A_744] : memref<8008xf32, #tpu.memory_space<vmem>>[vector<16xi32>], vector<16xf32>,
      %swap3A_746 = arith.constant 0 : i32
      %swap3A_747 = arith.index_cast %swap3A_746 : i32 to index
      %swap3A_748 = arith.constant 16 : index
      %swap3A_749 = tpu.vector_load %arg8[%swap3A_747, %swap3A_748] {strides = array<i32>} : memref<8x128xf32, #tpu.memory_space<vmem>>, vector<16xf32>,
      tpu.vector_store %arg8[%swap3A_747, %swap3A_748], %gather3A_717 {strides = array<i32>} : memref<8x128xf32, #tpu.memory_space<vmem>>, vector<16xf32>,
      %swap3A_750 = arith.constant 1 : i32
      %swap3A_751 = arith.index_cast %swap3A_750 : i32 to index
      %swap3A_752 = arith.constant 16 : index
      %swap3A_753 = tpu.vector_load %arg8[%swap3A_751, %swap3A_752] {strides = array<i32>} : memref<8x128xf32, #tpu.memory_space<vmem>>, vector<16xf32>,
      tpu.vector_store %arg8[%swap3A_751, %swap3A_752], %gather3A_721 {strides = array<i32>} : memref<8x128xf32, #tpu.memory_space<vmem>>, vector<16xf32>,
      %swap3A_754 = arith.constant 2 : i32
      %swap3A_755 = arith.index_cast %swap3A_754 : i32 to index
      %swap3A_756 = arith.constant 16 : index
      %swap3A_757 = tpu.vector_load %arg8[%swap3A_755, %swap3A_756] {strides = array<i32>} : memref<8x128xf32, #tpu.memory_space<vmem>>, vector<16xf32>,
      tpu.vector_store %arg8[%swap3A_755, %swap3A_756], %gather3A_725 {strides = array<i32>} : memref<8x128xf32, #tpu.memory_space<vmem>>, vector<16xf32>,
      %swap3A_758 = arith.constant 3 : i32
      %swap3A_759 = arith.index_cast %swap3A_758 : i32 to index
      %swap3A_760 = arith.constant 16 : index
      %swap3A_761 = tpu.vector_load %arg8[%swap3A_759, %swap3A_760] {strides = array<i32>} : memref<8x128xf32, #tpu.memory_space<vmem>>, vector<16xf32>,
      tpu.vector_store %arg8[%swap3A_759, %swap3A_760], %gather3A_729 {strides = array<i32>} : memref<8x128xf32, #tpu.memory_space<vmem>>, vector<16xf32>,
      %swap3A_762 = arith.constant 4 : i32
      %swap3A_763 = arith.index_cast %swap3A_762 : i32 to index
      %swap3A_764 = arith.constant 16 : index
      %swap3A_765 = tpu.vector_load %arg8[%swap3A_763, %swap3A_764] {strides = array<i32>} : memref<8x128xf32, #tpu.memory_space<vmem>>, vector<16xf32>,
      tpu.vector_store %arg8[%swap3A_763, %swap3A_764], %gather3A_733 {strides = array<i32>} : memref<8x128xf32, #tpu.memory_space<vmem>>, vector<16xf32>,
      %swap3A_766 = arith.constant 5 : i32
      %swap3A_767 = arith.index_cast %swap3A_766 : i32 to index
      %swap3A_768 = arith.constant 16 : index
      %swap3A_769 = tpu.vector_load %arg8[%swap3A_767, %swap3A_768] {strides = array<i32>} : memref<8x128xf32, #tpu.memory_space<vmem>>, vector<16xf32>,
      tpu.vector_store %arg8[%swap3A_767, %swap3A_768], %gather3A_737 {strides = array<i32>} : memref<8x128xf32, #tpu.memory_space<vmem>>, vector<16xf32>,
      %swap3A_770 = arith.constant 6 : i32
      %swap3A_771 = arith.index_cast %swap3A_770 : i32 to index
      %swap3A_772 = arith.constant 16 : index
      %swap3A_773 = tpu.vector_load %arg8[%swap3A_771, %swap3A_772] {strides = array<i32>} : memref<8x128xf32, #tpu.memory_space<vmem>>, vector<16xf32>,
      tpu.vector_store %arg8[%swap3A_771, %swap3A_772], %gather3A_741 {strides = array<i32>} : memref<8x128xf32, #tpu.memory_space<vmem>>, vector<16xf32>,
      %swap3A_774 = arith.constant 7 : i32
      %swap3A_775 = arith.index_cast %swap3A_774 : i32 to index
      %swap3A_776 = arith.constant 16 : index
      %swap3A_777 = tpu.vector_load %arg8[%swap3A_775, %swap3A_776] {strides = array<i32>} : memref<8x128xf32, #tpu.memory_space<vmem>>, vector<16xf32>,
      tpu.vector_store %arg8[%swap3A_775, %swap3A_776], %gather3A_745 {strides = array<i32>} : memref<8x128xf32, #tpu.memory_space<vmem>>, vector<16xf32>,
      %mul3A_778 = arith.constant 128 : i32
      %mul3A_779 = arith.muli %add3A_632, %mul3A_778 : i32
      %add3A_780 = arith.constant 32 : i32
      %add3A_781 = arith.addi %mul3A_779, %add3A_780 : i32
      %get3A_782 = arith.index_cast %add3A_781 : i32 to index
      %get3A_783 = tpu.vector_load %arg5[%get3A_782] {strides = array<i32>} : memref<4096xi32, #tpu.memory_space<vmem>>, vector<16xi32>,
      %add3A_784 = arith.constant 0 : i32
      %add3A_785 = vector.broadcast %add3A_784 : i32 to vector<16xi32>
      %add3A_786 = arith.addi %get3A_783, %add3A_785 : vector<16xi32>
      %gather3A_787 = tpu.vector_load_idx %arg6[%add3A_786] : memref<8008xf32, #tpu.memory_space<vmem>>[vector<16xi32>], vector<16xf32>,
      %add3A_788 = arith.constant 1001 : i32
      %add3A_789 = vector.broadcast %add3A_788 : i32 to vector<16xi32>
      %add3A_790 = arith.addi %get3A_783, %add3A_789 : vector<16xi32>
      %gather3A_791 = tpu.vector_load_idx %arg6[%add3A_790] : memref<8008xf32, #tpu.memory_space<vmem>>[vector<16xi32>], vector<16xf32>,
      %add3A_792 = arith.constant 2002 : i32
      %add3A_793 = vector.broadcast %add3A_792 : i32 to vector<16xi32>
      %add3A_794 = arith.addi %get3A_783, %add3A_793 : vector<16xi32>
      %gather3A_795 = tpu.vector_load_idx %arg6[%add3A_794] : memref<8008xf32, #tpu.memory_space<vmem>>[vector<16xi32>], vector<16xf32>,
      %add3A_796 = arith.constant 3003 : i32
      %add3A_797 = vector.broadcast %add3A_796 : i32 to vector<16xi32>
      %add3A_798 = arith.addi %get3A_783, %add3A_797 : vector<16xi32>
      %gather3A_799 = tpu.vector_load_idx %arg6[%add3A_798] : memref<8008xf32, #tpu.memory_space<vmem>>[vector<16xi32>], vector<16xf32>,
      %add3A_800 = arith.constant 4004 : i32
      %add3A_801 = vector.broadcast %add3A_800 : i32 to vector<16xi32>
      %add3A_802 = arith.addi %get3A_783, %add3A_801 : vector<16xi32>
      %gather3A_803 = tpu.vector_load_idx %arg6[%add3A_802] : memref<8008xf32, #tpu.memory_space<vmem>>[vector<16xi32>], vector<16xf32>,
      %add3A_804 = arith.constant 5005 : i32
      %add3A_805 = vector.broadcast %add3A_804 : i32 to vector<16xi32>
      %add3A_806 = arith.addi %get3A_783, %add3A_805 : vector<16xi32>
      %gather3A_807 = tpu.vector_load_idx %arg6[%add3A_806] : memref<8008xf32, #tpu.memory_space<vmem>>[vector<16xi32>], vector<16xf32>,
      %add3A_808 = arith.constant 6006 : i32
      %add3A_809 = vector.broadcast %add3A_808 : i32 to vector<16xi32>
      %add3A_810 = arith.addi %get3A_783, %add3A_809 : vector<16xi32>
      %gather3A_811 = tpu.vector_load_idx %arg6[%add3A_810] : memref<8008xf32, #tpu.memory_space<vmem>>[vector<16xi32>], vector<16xf32>,
      %add3A_812 = arith.constant 7007 : i32
      %add3A_813 = vector.broadcast %add3A_812 : i32 to vector<16xi32>
      %add3A_814 = arith.addi %get3A_783, %add3A_813 : vector<16xi32>
      %gather3A_815 = tpu.vector_load_idx %arg6[%add3A_814] : memref<8008xf32, #tpu.memory_space<vmem>>[vector<16xi32>], vector<16xf32>,
      %swap3A_816 = arith.constant 0 : i32
      %swap3A_817 = arith.index_cast %swap3A_816 : i32 to index
      %swap3A_818 = arith.constant 32 : index
      %swap3A_819 = tpu.vector_load %arg8[%swap3A_817, %swap3A_818] {strides = array<i32>} : memref<8x128xf32, #tpu.memory_space<vmem>>, vector<16xf32>,
      tpu.vector_store %arg8[%swap3A_817, %swap3A_818], %gather3A_787 {strides = array<i32>} : memref<8x128xf32, #tpu.memory_space<vmem>>, vector<16xf32>,
      %swap3A_820 = arith.constant 1 : i32
      %swap3A_821 = arith.index_cast %swap3A_820 : i32 to index
      %swap3A_822 = arith.constant 32 : index
      %swap3A_823 = tpu.vector_load %arg8[%swap3A_821, %swap3A_822] {strides = array<i32>} : memref<8x128xf32, #tpu.memory_space<vmem>>, vector<16xf32>,
      tpu.vector_store %arg8[%swap3A_821, %swap3A_822], %gather3A_791 {strides = array<i32>} : memref<8x128xf32, #tpu.memory_space<vmem>>, vector<16xf32>,
      %swap3A_824 = arith.constant 2 : i32
      %swap3A_825 = arith.index_cast %swap3A_824 : i32 to index
      %swap3A_826 = arith.constant 32 : index
      %swap3A_827 = tpu.vector_load %arg8[%swap3A_825, %swap3A_826] {strides = array<i32>} : memref<8x128xf32, #tpu.memory_space<vmem>>, vector<16xf32>,
      tpu.vector_store %arg8[%swap3A_825, %swap3A_826], %gather3A_795 {strides = array<i32>} : memref<8x128xf32, #tpu.memory_space<vmem>>, vector<16xf32>,
      %swap3A_828 = arith.constant 3 : i32
      %swap3A_829 = arith.index_cast %swap3A_828 : i32 to index
      %swap3A_830 = arith.constant 32 : index
      %swap3A_831 = tpu.vector_load %arg8[%swap3A_829, %swap3A_830] {strides = array<i32>} : memref<8x128xf32, #tpu.memory_space<vmem>>, vector<16xf32>,
      tpu.vector_store %arg8[%swap3A_829, %swap3A_830], %gather3A_799 {strides = array<i32>} : memref<8x128xf32, #tpu.memory_space<vmem>>, vector<16xf32>,
      %swap3A_832 = arith.constant 4 : i32
      %swap3A_833 = arith.index_cast %swap3A_832 : i32 to index
      %swap3A_834 = arith.constant 32 : index
      %swap3A_835 = tpu.vector_load %arg8[%swap3A_833, %swap3A_834] {strides = array<i32>} : memref<8x128xf32, #tpu.memory_space<vmem>>, vector<16xf32>,
      tpu.vector_store %arg8[%swap3A_833, %swap3A_834], %gather3A_803 {strides = array<i32>} : memref<8x128xf32, #tpu.memory_space<vmem>>, vector<16xf32>,
      %swap3A_836 = arith.constant 5 : i32
      %swap3A_837 = arith.index_cast %swap3A_836 : i32 to index
      %swap3A_838 = arith.constant 32 : index
      %swap3A_839 = tpu.vector_load %arg8[%swap3A_837, %swap3A_838] {strides = array<i32>} : memref<8x128xf32, #tpu.memory_space<vmem>>, vector<16xf32>,
      tpu.vector_store %arg8[%swap3A_837, %swap3A_838], %gather3A_807 {strides = array<i32>} : memref<8x128xf32, #tpu.memory_space<vmem>>, vector<16xf32>,
      %swap3A_840 = arith.constant 6 : i32
      %swap3A_841 = arith.index_cast %swap3A_840 : i32 to index
      %swap3A_842 = arith.constant 32 : index
      %swap3A_843 = tpu.vector_load %arg8[%swap3A_841, %swap3A_842] {strides = array<i32>} : memref<8x128xf32, #tpu.memory_space<vmem>>, vector<16xf32>,
      tpu.vector_store %arg8[%swap3A_841, %swap3A_842], %gather3A_811 {strides = array<i32>} : memref<8x128xf32, #tpu.memory_space<vmem>>, vector<16xf32>,
      %swap3A_844 = arith.constant 7 : i32
      %swap3A_845 = arith.index_cast %swap3A_844 : i32 to index
      %swap3A_846 = arith.constant 32 : index
      %swap3A_847 = tpu.vector_load %arg8[%swap3A_845, %swap3A_846] {strides = array<i32>} : memref<8x128xf32, #tpu.memory_space<vmem>>, vector<16xf32>,
      tpu.vector_store %arg8[%swap3A_845, %swap3A_846], %gather3A_815 {strides = array<i32>} : memref<8x128xf32, #tpu.memory_space<vmem>>, vector<16xf32>,
      %mul3A_848 = arith.constant 128 : i32
      %mul3A_849 = arith.muli %add3A_632, %mul3A_848 : i32
      %add3A_850 = arith.constant 48 : i32
      %add3A_851 = arith.addi %mul3A_849, %add3A_850 : i32
      %get3A_852 = arith.index_cast %add3A_851 : i32 to index
      %get3A_853 = tpu.vector_load %arg5[%get3A_852] {strides = array<i32>} : memref<4096xi32, #tpu.memory_space<vmem>>, vector<16xi32>,
      %add3A_854 = arith.constant 0 : i32
      %add3A_855 = vector.broadcast %add3A_854 : i32 to vector<16xi32>
      %add3A_856 = arith.addi %get3A_853, %add3A_855 : vector<16xi32>
      %gather3A_857 = tpu.vector_load_idx %arg6[%add3A_856] : memref<8008xf32, #tpu.memory_space<vmem>>[vector<16xi32>], vector<16xf32>,
      %add3A_858 = arith.constant 1001 : i32
      %add3A_859 = vector.broadcast %add3A_858 : i32 to vector<16xi32>
      %add3A_860 = arith.addi %get3A_853, %add3A_859 : vector<16xi32>
      %gather3A_861 = tpu.vector_load_idx %arg6[%add3A_860] : memref<8008xf32, #tpu.memory_space<vmem>>[vector<16xi32>], vector<16xf32>,
      %add3A_862 = arith.constant 2002 : i32
      %add3A_863 = vector.broadcast %add3A_862 : i32 to vector<16xi32>
      %add3A_864 = arith.addi %get3A_853, %add3A_863 : vector<16xi32>
      %gather3A_865 = tpu.vector_load_idx %arg6[%add3A_864] : memref<8008xf32, #tpu.memory_space<vmem>>[vector<16xi32>], vector<16xf32>,
      %add3A_866 = arith.constant 3003 : i32
      %add3A_867 = vector.broadcast %add3A_866 : i32 to vector<16xi32>
      %add3A_868 = arith.addi %get3A_853, %add3A_867 : vector<16xi32>
      %gather3A_869 = tpu.vector_load_idx %arg6[%add3A_868] : memref<8008xf32, #tpu.memory_space<vmem>>[vector<16xi32>], vector<16xf32>,
      %add3A_870 = arith.constant 4004 : i32
      %add3A_871 = vector.broadcast %add3A_870 : i32 to vector<16xi32>
      %add3A_872 = arith.addi %get3A_853, %add3A_871 : vector<16xi32>
      %gather3A_873 = tpu.vector_load_idx %arg6[%add3A_872] : memref<8008xf32, #tpu.memory_space<vmem>>[vector<16xi32>], vector<16xf32>,
      %add3A_874 = arith.constant 5005 : i32
      %add3A_875 = vector.broadcast %add3A_874 : i32 to vector<16xi32>
      %add3A_876 = arith.addi %get3A_853, %add3A_875 : vector<16xi32>
      %gather3A_877 = tpu.vector_load_idx %arg6[%add3A_876] : memref<8008xf32, #tpu.memory_space<vmem>>[vector<16xi32>], vector<16xf32>,
      %add3A_878 = arith.constant 6006 : i32
      %add3A_879 = vector.broadcast %add3A_878 : i32 to vector<16xi32>
      %add3A_880 = arith.addi %get3A_853, %add3A_879 : vector<16xi32>
      %gather3A_881 = tpu.vector_load_idx %arg6[%add3A_880] : memref<8008xf32, #tpu.memory_space<vmem>>[vector<16xi32>], vector<16xf32>,
      %add3A_882 = arith.constant 7007 : i32
      %add3A_883 = vector.broadcast %add3A_882 : i32 to vector<16xi32>
      %add3A_884 = arith.addi %get3A_853, %add3A_883 : vector<16xi32>
      %gather3A_885 = tpu.vector_load_idx %arg6[%add3A_884] : memref<8008xf32, #tpu.memory_space<vmem>>[vector<16xi32>], vector<16xf32>,
      %swap3A_886 = arith.constant 0 : i32
      %swap3A_887 = arith.index_cast %swap3A_886 : i32 to index
      %swap3A_888 = arith.constant 48 : index
      %swap3A_889 = tpu.vector_load %arg8[%swap3A_887, %swap3A_888] {strides = array<i32>} : memref<8x128xf32, #tpu.memory_space<vmem>>, vector<16xf32>,
      tpu.vector_store %arg8[%swap3A_887, %swap3A_888], %gather3A_857 {strides = array<i32>} : memref<8x128xf32, #tpu.memory_space<vmem>>, vector<16xf32>,
      %swap3A_890 = arith.constant 1 : i32
      %swap3A_891 = arith.index_cast %swap3A_890 : i32 to index
      %swap3A_892 = arith.constant 48 : index
      %swap3A_893 = tpu.vector_load %arg8[%swap3A_891, %swap3A_892] {strides = array<i32>} : memref<8x128xf32, #tpu.memory_space<vmem>>, vector<16xf32>,
      tpu.vector_store %arg8[%swap3A_891, %swap3A_892], %gather3A_861 {strides = array<i32>} : memref<8x128xf32, #tpu.memory_space<vmem>>, vector<16xf32>,
      %swap3A_894 = arith.constant 2 : i32
      %swap3A_895 = arith.index_cast %swap3A_894 : i32 to index
      %swap3A_896 = arith.constant 48 : index
      %swap3A_897 = tpu.vector_load %arg8[%swap3A_895, %swap3A_896] {strides = array<i32>} : memref<8x128xf32, #tpu.memory_space<vmem>>, vector<16xf32>,
      tpu.vector_store %arg8[%swap3A_895, %swap3A_896], %gather3A_865 {strides = array<i32>} : memref<8x128xf32, #tpu.memory_space<vmem>>, vector<16xf32>,
      %swap3A_898 = arith.constant 3 : i32
      %swap3A_899 = arith.index_cast %swap3A_898 : i32 to index
      %swap3A_900 = arith.constant 48 : index
      %swap3A_901 = tpu.vector_load %arg8[%swap3A_899, %swap3A_900] {strides = array<i32>} : memref<8x128xf32, #tpu.memory_space<vmem>>, vector<16xf32>,
      tpu.vector_store %arg8[%swap3A_899, %swap3A_900], %gather3A_869 {strides = array<i32>} : memref<8x128xf32, #tpu.memory_space<vmem>>, vector<16xf32>,
      %swap3A_902 = arith.constant 4 : i32
      %swap3A_903 = arith.index_cast %swap3A_902 : i32 to index
      %swap3A_904 = arith.constant 48 : index
      %swap3A_905 = tpu.vector_load %arg8[%swap3A_903, %swap3A_904] {strides = array<i32>} : memref<8x128xf32, #tpu.memory_space<vmem>>, vector<16xf32>,
      tpu.vector_store %arg8[%swap3A_903, %swap3A_904], %gather3A_873 {strides = array<i32>} : memref<8x128xf32, #tpu.memory_space<vmem>>, vector<16xf32>,
      %swap3A_906 = arith.constant 5 : i32
      %swap3A_907 = arith.index_cast %swap3A_906 : i32 to index
      %swap3A_908 = arith.constant 48 : index
      %swap3A_909 = tpu.vector_load %arg8[%swap3A_907, %swap3A_908] {strides = array<i32>} : memref<8x128xf32, #tpu.memory_space<vmem>>, vector<16xf32>,
      tpu.vector_store %arg8[%swap3A_907, %swap3A_908], %gather3A_877 {strides = array<i32>} : memref<8x128xf32, #tpu.memory_space<vmem>>, vector<16xf32>,
      %swap3A_910 = arith.constant 6 : i32
      %swap3A_911 = arith.index_cast %swap3A_910 : i32 to index
      %swap3A_912 = arith.constant 48 : index
      %swap3A_913 = tpu.vector_load %arg8[%swap3A_911, %swap3A_912] {strides = array<i32>} : memref<8x128xf32, #tpu.memory_space<vmem>>, vector<16xf32>,
      tpu.vector_store %arg8[%swap3A_911, %swap3A_912], %gather3A_881 {strides = array<i32>} : memref<8x128xf32, #tpu.memory_space<vmem>>, vector<16xf32>,
      %swap3A_914 = arith.constant 7 : i32
      %swap3A_915 = arith.index_cast %swap3A_914 : i32 to index
      %swap3A_916 = arith.constant 48 : index
      %swap3A_917 = tpu.vector_load %arg8[%swap3A_915, %swap3A_916] {strides = array<i32>} : memref<8x128xf32, #tpu.memory_space<vmem>>, vector<16xf32>,
      tpu.vector_store %arg8[%swap3A_915, %swap3A_916], %gather3A_885 {strides = array<i32>} : memref<8x128xf32, #tpu.memory_space<vmem>>, vector<16xf32>,
      %mul3A_918 = arith.constant 128 : i32
      %mul3A_919 = arith.muli %add3A_632, %mul3A_918 : i32
      %add3A_920 = arith.constant 64 : i32
      %add3A_921 = arith.addi %mul3A_919, %add3A_920 : i32
      %get3A_922 = arith.index_cast %add3A_921 : i32 to index
      %get3A_923 = tpu.vector_load %arg5[%get3A_922] {strides = array<i32>} : memref<4096xi32, #tpu.memory_space<vmem>>, vector<16xi32>,
      %add3A_924 = arith.constant 0 : i32
      %add3A_925 = vector.broadcast %add3A_924 : i32 to vector<16xi32>
      %add3A_926 = arith.addi %get3A_923, %add3A_925 : vector<16xi32>
      %gather3A_927 = tpu.vector_load_idx %arg6[%add3A_926] : memref<8008xf32, #tpu.memory_space<vmem>>[vector<16xi32>], vector<16xf32>,
      %add3A_928 = arith.constant 1001 : i32
      %add3A_929 = vector.broadcast %add3A_928 : i32 to vector<16xi32>
      %add3A_930 = arith.addi %get3A_923, %add3A_929 : vector<16xi32>
      %gather3A_931 = tpu.vector_load_idx %arg6[%add3A_930] : memref<8008xf32, #tpu.memory_space<vmem>>[vector<16xi32>], vector<16xf32>,
      %add3A_932 = arith.constant 2002 : i32
      %add3A_933 = vector.broadcast %add3A_932 : i32 to vector<16xi32>
      %add3A_934 = arith.addi %get3A_923, %add3A_933 : vector<16xi32>
      %gather3A_935 = tpu.vector_load_idx %arg6[%add3A_934] : memref<8008xf32, #tpu.memory_space<vmem>>[vector<16xi32>], vector<16xf32>,
      %add3A_936 = arith.constant 3003 : i32
      %add3A_937 = vector.broadcast %add3A_936 : i32 to vector<16xi32>
      %add3A_938 = arith.addi %get3A_923, %add3A_937 : vector<16xi32>
      %gather3A_939 = tpu.vector_load_idx %arg6[%add3A_938] : memref<8008xf32, #tpu.memory_space<vmem>>[vector<16xi32>], vector<16xf32>,
      %add3A_940 = arith.constant 4004 : i32
      %add3A_941 = vector.broadcast %add3A_940 : i32 to vector<16xi32>
      %add3A_942 = arith.addi %get3A_923, %add3A_941 : vector<16xi32>
      %gather3A_943 = tpu.vector_load_idx %arg6[%add3A_942] : memref<8008xf32, #tpu.memory_space<vmem>>[vector<16xi32>], vector<16xf32>,
      %add3A_944 = arith.constant 5005 : i32
      %add3A_945 = vector.broadcast %add3A_944 : i32 to vector<16xi32>
      %add3A_946 = arith.addi %get3A_923, %add3A_945 : vector<16xi32>
      %gather3A_947 = tpu.vector_load_idx %arg6[%add3A_946] : memref<8008xf32, #tpu.memory_space<vmem>>[vector<16xi32>], vector<16xf32>,
      %add3A_948 = arith.constant 6006 : i32
      %add3A_949 = vector.broadcast %add3A_948 : i32 to vector<16xi32>
      %add3A_950 = arith.addi %get3A_923, %add3A_949 : vector<16xi32>
      %gather3A_951 = tpu.vector_load_idx %arg6[%add3A_950] : memref<8008xf32, #tpu.memory_space<vmem>>[vector<16xi32>], vector<16xf32>,
      %add3A_952 = arith.constant 7007 : i32
      %add3A_953 = vector.broadcast %add3A_952 : i32 to vector<16xi32>
      %add3A_954 = arith.addi %get3A_923, %add3A_953 : vector<16xi32>
      %gather3A_955 = tpu.vector_load_idx %arg6[%add3A_954] : memref<8008xf32, #tpu.memory_space<vmem>>[vector<16xi32>], vector<16xf32>,
      %swap3A_956 = arith.constant 0 : i32
      %swap3A_957 = arith.index_cast %swap3A_956 : i32 to index
      %swap3A_958 = arith.constant 64 : index
      %swap3A_959 = tpu.vector_load %arg8[%swap3A_957, %swap3A_958] {strides = array<i32>} : memref<8x128xf32, #tpu.memory_space<vmem>>, vector<16xf32>,
      tpu.vector_store %arg8[%swap3A_957, %swap3A_958], %gather3A_927 {strides = array<i32>} : memref<8x128xf32, #tpu.memory_space<vmem>>, vector<16xf32>,
      %swap3A_960 = arith.constant 1 : i32
      %swap3A_961 = arith.index_cast %swap3A_960 : i32 to index
      %swap3A_962 = arith.constant 64 : index
      %swap3A_963 = tpu.vector_load %arg8[%swap3A_961, %swap3A_962] {strides = array<i32>} : memref<8x128xf32, #tpu.memory_space<vmem>>, vector<16xf32>,
      tpu.vector_store %arg8[%swap3A_961, %swap3A_962], %gather3A_931 {strides = array<i32>} : memref<8x128xf32, #tpu.memory_space<vmem>>, vector<16xf32>,
      %swap3A_964 = arith.constant 2 : i32
      %swap3A_965 = arith.index_cast %swap3A_964 : i32 to index
      %swap3A_966 = arith.constant 64 : index
      %swap3A_967 = tpu.vector_load %arg8[%swap3A_965, %swap3A_966] {strides = array<i32>} : memref<8x128xf32, #tpu.memory_space<vmem>>, vector<16xf32>,
      tpu.vector_store %arg8[%swap3A_965, %swap3A_966], %gather3A_935 {strides = array<i32>} : memref<8x128xf32, #tpu.memory_space<vmem>>, vector<16xf32>,
      %swap3A_968 = arith.constant 3 : i32
      %swap3A_969 = arith.index_cast %swap3A_968 : i32 to index
      %swap3A_970 = arith.constant 64 : index
      %swap3A_971 = tpu.vector_load %arg8[%swap3A_969, %swap3A_970] {strides = array<i32>} : memref<8x128xf32, #tpu.memory_space<vmem>>, vector<16xf32>,
      tpu.vector_store %arg8[%swap3A_969, %swap3A_970], %gather3A_939 {strides = array<i32>} : memref<8x128xf32, #tpu.memory_space<vmem>>, vector<16xf32>,
      %swap3A_972 = arith.constant 4 : i32
      %swap3A_973 = arith.index_cast %swap3A_972 : i32 to index
      %swap3A_974 = arith.constant 64 : index
      %swap3A_975 = tpu.vector_load %arg8[%swap3A_973, %swap3A_974] {strides = array<i32>} : memref<8x128xf32, #tpu.memory_space<vmem>>, vector<16xf32>,
      tpu.vector_store %arg8[%swap3A_973, %swap3A_974], %gather3A_943 {strides = array<i32>} : memref<8x128xf32, #tpu.memory_space<vmem>>, vector<16xf32>,
      %swap3A_976 = arith.constant 5 : i32
      %swap3A_977 = arith.index_cast %swap3A_976 : i32 to index
      %swap3A_978 = arith.constant 64 : index
      %swap3A_979 = tpu.vector_load %arg8[%swap3A_977, %swap3A_978] {strides = array<i32>} : memref<8x128xf32, #tpu.memory_space<vmem>>, vector<16xf32>,
      tpu.vector_store %arg8[%swap3A_977, %swap3A_978], %gather3A_947 {strides = array<i32>} : memref<8x128xf32, #tpu.memory_space<vmem>>, vector<16xf32>,
      %swap3A_980 = arith.constant 6 : i32
      %swap3A_981 = arith.index_cast %swap3A_980 : i32 to index
      %swap3A_982 = arith.constant 64 : index
      %swap3A_983 = tpu.vector_load %arg8[%swap3A_981, %swap3A_982] {strides = array<i32>} : memref<8x128xf32, #tpu.memory_space<vmem>>, vector<16xf32>,
      tpu.vector_store %arg8[%swap3A_981, %swap3A_982], %gather3A_951 {strides = array<i32>} : memref<8x128xf32, #tpu.memory_space<vmem>>, vector<16xf32>,
      %swap3A_984 = arith.constant 7 : i32
      %swap3A_985 = arith.index_cast %swap3A_984 : i32 to index
      %swap3A_986 = arith.constant 64 : index
      %swap3A_987 = tpu.vector_load %arg8[%swap3A_985, %swap3A_986] {strides = array<i32>} : memref<8x128xf32, #tpu.memory_space<vmem>>, vector<16xf32>,
      tpu.vector_store %arg8[%swap3A_985, %swap3A_986], %gather3A_955 {strides = array<i32>} : memref<8x128xf32, #tpu.memory_space<vmem>>, vector<16xf32>,
      %mul3A_988 = arith.constant 128 : i32
      %mul3A_989 = arith.muli %add3A_632, %mul3A_988 : i32
      %add3A_990 = arith.constant 80 : i32
      %add3A_991 = arith.addi %mul3A_989, %add3A_990 : i32
      %get3A_992 = arith.index_cast %add3A_991 : i32 to index
      %get3A_993 = tpu.vector_load %arg5[%get3A_992] {strides = array<i32>} : memref<4096xi32, #tpu.memory_space<vmem>>, vector<16xi32>,
      %add3A_994 = arith.constant 0 : i32
      %add3A_995 = vector.broadcast %add3A_994 : i32 to vector<16xi32>
      %add3A_996 = arith.addi %get3A_993, %add3A_995 : vector<16xi32>
      %gather3A_997 = tpu.vector_load_idx %arg6[%add3A_996] : memref<8008xf32, #tpu.memory_space<vmem>>[vector<16xi32>], vector<16xf32>,
      %add3A_998 = arith.constant 1001 : i32
      %add3A_999 = vector.broadcast %add3A_998 : i32 to vector<16xi32>
      %add3A_1000 = arith.addi %get3A_993, %add3A_999 : vector<16xi32>
      %gather3A_1001 = tpu.vector_load_idx %arg6[%add3A_1000] : memref<8008xf32, #tpu.memory_space<vmem>>[vector<16xi32>], vector<16xf32>,
      %add3A_1002 = arith.constant 2002 : i32
      %add3A_1003 = vector.broadcast %add3A_1002 : i32 to vector<16xi32>
      %add3A_1004 = arith.addi %get3A_993, %add3A_1003 : vector<16xi32>
      %gather3A_1005 = tpu.vector_load_idx %arg6[%add3A_1004] : memref<8008xf32, #tpu.memory_space<vmem>>[vector<16xi32>], vector<16xf32>,
      %add3A_1006 = arith.constant 3003 : i32
      %add3A_1007 = vector.broadcast %add3A_1006 : i32 to vector<16xi32>
      %add3A_1008 = arith.addi %get3A_993, %add3A_1007 : vector<16xi32>
      %gather3A_1009 = tpu.vector_load_idx %arg6[%add3A_1008] : memref<8008xf32, #tpu.memory_space<vmem>>[vector<16xi32>], vector<16xf32>,
      %add3A_1010 = arith.constant 4004 : i32
      %add3A_1011 = vector.broadcast %add3A_1010 : i32 to vector<16xi32>
      %add3A_1012 = arith.addi %get3A_993, %add3A_1011 : vector<16xi32>
      %gather3A_1013 = tpu.vector_load_idx %arg6[%add3A_1012] : memref<8008xf32, #tpu.memory_space<vmem>>[vector<16xi32>], vector<16xf32>,
      %add3A_1014 = arith.constant 5005 : i32
      %add3A_1015 = vector.broadcast %add3A_1014 : i32 to vector<16xi32>
      %add3A_1016 = arith.addi %get3A_993, %add3A_1015 : vector<16xi32>
      %gather3A_1017 = tpu.vector_load_idx %arg6[%add3A_1016] : memref<8008xf32, #tpu.memory_space<vmem>>[vector<16xi32>], vector<16xf32>,
      %add3A_1018 = arith.constant 6006 : i32
      %add3A_1019 = vector.broadcast %add3A_1018 : i32 to vector<16xi32>
      %add3A_1020 = arith.addi %get3A_993, %add3A_1019 : vector<16xi32>
      %gather3A_1021 = tpu.vector_load_idx %arg6[%add3A_1020] : memref<8008xf32, #tpu.memory_space<vmem>>[vector<16xi32>], vector<16xf32>,
      %add3A_1022 = arith.constant 7007 : i32
      %add3A_1023 = vector.broadcast %add3A_1022 : i32 to vector<16xi32>
      %add3A_1024 = arith.addi %get3A_993, %add3A_1023 : vector<16xi32>
      %gather3A_1025 = tpu.vector_load_idx %arg6[%add3A_1024] : memref<8008xf32, #tpu.memory_space<vmem>>[vector<16xi32>], vector<16xf32>,
      %swap3A_1026 = arith.constant 0 : i32
      %swap3A_1027 = arith.index_cast %swap3A_1026 : i32 to index
      %swap3A_1028 = arith.constant 80 : index
      %swap3A_1029 = tpu.vector_load %arg8[%swap3A_1027, %swap3A_1028] {strides = array<i32>} : memref<8x128xf32, #tpu.memory_space<vmem>>, vector<16xf32>,
      tpu.vector_store %arg8[%swap3A_1027, %swap3A_1028], %gather3A_997 {strides = array<i32>} : memref<8x128xf32, #tpu.memory_space<vmem>>, vector<16xf32>,
      %swap3A_1030 = arith.constant 1 : i32
      %swap3A_1031 = arith.index_cast %swap3A_1030 : i32 to index
      %swap3A_1032 = arith.constant 80 : index
      %swap3A_1033 = tpu.vector_load %arg8[%swap3A_1031, %swap3A_1032] {strides = array<i32>} : memref<8x128xf32, #tpu.memory_space<vmem>>, vector<16xf32>,
      tpu.vector_store %arg8[%swap3A_1031, %swap3A_1032], %gather3A_1001 {strides = array<i32>} : memref<8x128xf32, #tpu.memory_space<vmem>>, vector<16xf32>,
      %swap3A_1034 = arith.constant 2 : i32
      %swap3A_1035 = arith.index_cast %swap3A_1034 : i32 to index
      %swap3A_1036 = arith.constant 80 : index
      %swap3A_1037 = tpu.vector_load %arg8[%swap3A_1035, %swap3A_1036] {strides = array<i32>} : memref<8x128xf32, #tpu.memory_space<vmem>>, vector<16xf32>,
      tpu.vector_store %arg8[%swap3A_1035, %swap3A_1036], %gather3A_1005 {strides = array<i32>} : memref<8x128xf32, #tpu.memory_space<vmem>>, vector<16xf32>,
      %swap3A_1038 = arith.constant 3 : i32
      %swap3A_1039 = arith.index_cast %swap3A_1038 : i32 to index
      %swap3A_1040 = arith.constant 80 : index
      %swap3A_1041 = tpu.vector_load %arg8[%swap3A_1039, %swap3A_1040] {strides = array<i32>} : memref<8x128xf32, #tpu.memory_space<vmem>>, vector<16xf32>,
      tpu.vector_store %arg8[%swap3A_1039, %swap3A_1040], %gather3A_1009 {strides = array<i32>} : memref<8x128xf32, #tpu.memory_space<vmem>>, vector<16xf32>,
      %swap3A_1042 = arith.constant 4 : i32
      %swap3A_1043 = arith.index_cast %swap3A_1042 : i32 to index
      %swap3A_1044 = arith.constant 80 : index
      %swap3A_1045 = tpu.vector_load %arg8[%swap3A_1043, %swap3A_1044] {strides = array<i32>} : memref<8x128xf32, #tpu.memory_space<vmem>>, vector<16xf32>,
      tpu.vector_store %arg8[%swap3A_1043, %swap3A_1044], %gather3A_1013 {strides = array<i32>} : memref<8x128xf32, #tpu.memory_space<vmem>>, vector<16xf32>,
      %swap3A_1046 = arith.constant 5 : i32
      %swap3A_1047 = arith.index_cast %swap3A_1046 : i32 to index
      %swap3A_1048 = arith.constant 80 : index
      %swap3A_1049 = tpu.vector_load %arg8[%swap3A_1047, %swap3A_1048] {strides = array<i32>} : memref<8x128xf32, #tpu.memory_space<vmem>>, vector<16xf32>,
      tpu.vector_store %arg8[%swap3A_1047, %swap3A_1048], %gather3A_1017 {strides = array<i32>} : memref<8x128xf32, #tpu.memory_space<vmem>>, vector<16xf32>,
      %swap3A_1050 = arith.constant 6 : i32
      %swap3A_1051 = arith.index_cast %swap3A_1050 : i32 to index
      %swap3A_1052 = arith.constant 80 : index
      %swap3A_1053 = tpu.vector_load %arg8[%swap3A_1051, %swap3A_1052] {strides = array<i32>} : memref<8x128xf32, #tpu.memory_space<vmem>>, vector<16xf32>,
      tpu.vector_store %arg8[%swap3A_1051, %swap3A_1052], %gather3A_1021 {strides = array<i32>} : memref<8x128xf32, #tpu.memory_space<vmem>>, vector<16xf32>,
      %swap3A_1054 = arith.constant 7 : i32
      %swap3A_1055 = arith.index_cast %swap3A_1054 : i32 to index
      %swap3A_1056 = arith.constant 80 : index
      %swap3A_1057 = tpu.vector_load %arg8[%swap3A_1055, %swap3A_1056] {strides = array<i32>} : memref<8x128xf32, #tpu.memory_space<vmem>>, vector<16xf32>,
      tpu.vector_store %arg8[%swap3A_1055, %swap3A_1056], %gather3A_1025 {strides = array<i32>} : memref<8x128xf32, #tpu.memory_space<vmem>>, vector<16xf32>,
      %mul3A_1058 = arith.constant 128 : i32
      %mul3A_1059 = arith.muli %add3A_632, %mul3A_1058 : i32
      %add3A_1060 = arith.constant 96 : i32
      %add3A_1061 = arith.addi %mul3A_1059, %add3A_1060 : i32
      %get3A_1062 = arith.index_cast %add3A_1061 : i32 to index
      %get3A_1063 = tpu.vector_load %arg5[%get3A_1062] {strides = array<i32>} : memref<4096xi32, #tpu.memory_space<vmem>>, vector<16xi32>,
      %add3A_1064 = arith.constant 0 : i32
      %add3A_1065 = vector.broadcast %add3A_1064 : i32 to vector<16xi32>
      %add3A_1066 = arith.addi %get3A_1063, %add3A_1065 : vector<16xi32>
      %gather3A_1067 = tpu.vector_load_idx %arg6[%add3A_1066] : memref<8008xf32, #tpu.memory_space<vmem>>[vector<16xi32>], vector<16xf32>,
      %add3A_1068 = arith.constant 1001 : i32
      %add3A_1069 = vector.broadcast %add3A_1068 : i32 to vector<16xi32>
      %add3A_1070 = arith.addi %get3A_1063, %add3A_1069 : vector<16xi32>
      %gather3A_1071 = tpu.vector_load_idx %arg6[%add3A_1070] : memref<8008xf32, #tpu.memory_space<vmem>>[vector<16xi32>], vector<16xf32>,
      %add3A_1072 = arith.constant 2002 : i32
      %add3A_1073 = vector.broadcast %add3A_1072 : i32 to vector<16xi32>
      %add3A_1074 = arith.addi %get3A_1063, %add3A_1073 : vector<16xi32>
      %gather3A_1075 = tpu.vector_load_idx %arg6[%add3A_1074] : memref<8008xf32, #tpu.memory_space<vmem>>[vector<16xi32>], vector<16xf32>,
      %add3A_1076 = arith.constant 3003 : i32
      %add3A_1077 = vector.broadcast %add3A_1076 : i32 to vector<16xi32>
      %add3A_1078 = arith.addi %get3A_1063, %add3A_1077 : vector<16xi32>
      %gather3A_1079 = tpu.vector_load_idx %arg6[%add3A_1078] : memref<8008xf32, #tpu.memory_space<vmem>>[vector<16xi32>], vector<16xf32>,
      %add3A_1080 = arith.constant 4004 : i32
      %add3A_1081 = vector.broadcast %add3A_1080 : i32 to vector<16xi32>
      %add3A_1082 = arith.addi %get3A_1063, %add3A_1081 : vector<16xi32>
      %gather3A_1083 = tpu.vector_load_idx %arg6[%add3A_1082] : memref<8008xf32, #tpu.memory_space<vmem>>[vector<16xi32>], vector<16xf32>,
      %add3A_1084 = arith.constant 5005 : i32
      %add3A_1085 = vector.broadcast %add3A_1084 : i32 to vector<16xi32>
      %add3A_1086 = arith.addi %get3A_1063, %add3A_1085 : vector<16xi32>
      %gather3A_1087 = tpu.vector_load_idx %arg6[%add3A_1086] : memref<8008xf32, #tpu.memory_space<vmem>>[vector<16xi32>], vector<16xf32>,
      %add3A_1088 = arith.constant 6006 : i32
      %add3A_1089 = vector.broadcast %add3A_1088 : i32 to vector<16xi32>
      %add3A_1090 = arith.addi %get3A_1063, %add3A_1089 : vector<16xi32>
      %gather3A_1091 = tpu.vector_load_idx %arg6[%add3A_1090] : memref<8008xf32, #tpu.memory_space<vmem>>[vector<16xi32>], vector<16xf32>,
      %add3A_1092 = arith.constant 7007 : i32
      %add3A_1093 = vector.broadcast %add3A_1092 : i32 to vector<16xi32>
      %add3A_1094 = arith.addi %get3A_1063, %add3A_1093 : vector<16xi32>
      %gather3A_1095 = tpu.vector_load_idx %arg6[%add3A_1094] : memref<8008xf32, #tpu.memory_space<vmem>>[vector<16xi32>], vector<16xf32>,
      %swap3A_1096 = arith.constant 0 : i32
      %swap3A_1097 = arith.index_cast %swap3A_1096 : i32 to index
      %swap3A_1098 = arith.constant 96 : index
      %swap3A_1099 = tpu.vector_load %arg8[%swap3A_1097, %swap3A_1098] {strides = array<i32>} : memref<8x128xf32, #tpu.memory_space<vmem>>, vector<16xf32>,
      tpu.vector_store %arg8[%swap3A_1097, %swap3A_1098], %gather3A_1067 {strides = array<i32>} : memref<8x128xf32, #tpu.memory_space<vmem>>, vector<16xf32>,
      %swap3A_1100 = arith.constant 1 : i32
      %swap3A_1101 = arith.index_cast %swap3A_1100 : i32 to index
      %swap3A_1102 = arith.constant 96 : index
      %swap3A_1103 = tpu.vector_load %arg8[%swap3A_1101, %swap3A_1102] {strides = array<i32>} : memref<8x128xf32, #tpu.memory_space<vmem>>, vector<16xf32>,
      tpu.vector_store %arg8[%swap3A_1101, %swap3A_1102], %gather3A_1071 {strides = array<i32>} : memref<8x128xf32, #tpu.memory_space<vmem>>, vector<16xf32>,
      %swap3A_1104 = arith.constant 2 : i32
      %swap3A_1105 = arith.index_cast %swap3A_1104 : i32 to index
      %swap3A_1106 = arith.constant 96 : index
      %swap3A_1107 = tpu.vector_load %arg8[%swap3A_1105, %swap3A_1106] {strides = array<i32>} : memref<8x128xf32, #tpu.memory_space<vmem>>, vector<16xf32>,
      tpu.vector_store %arg8[%swap3A_1105, %swap3A_1106], %gather3A_1075 {strides = array<i32>} : memref<8x128xf32, #tpu.memory_space<vmem>>, vector<16xf32>,
      %swap3A_1108 = arith.constant 3 : i32
      %swap3A_1109 = arith.index_cast %swap3A_1108 : i32 to index
      %swap3A_1110 = arith.constant 96 : index
      %swap3A_1111 = tpu.vector_load %arg8[%swap3A_1109, %swap3A_1110] {strides = array<i32>} : memref<8x128xf32, #tpu.memory_space<vmem>>, vector<16xf32>,
      tpu.vector_store %arg8[%swap3A_1109, %swap3A_1110], %gather3A_1079 {strides = array<i32>} : memref<8x128xf32, #tpu.memory_space<vmem>>, vector<16xf32>,
      %swap3A_1112 = arith.constant 4 : i32
      %swap3A_1113 = arith.index_cast %swap3A_1112 : i32 to index
      %swap3A_1114 = arith.constant 96 : index
      %swap3A_1115 = tpu.vector_load %arg8[%swap3A_1113, %swap3A_1114] {strides = array<i32>} : memref<8x128xf32, #tpu.memory_space<vmem>>, vector<16xf32>,
      tpu.vector_store %arg8[%swap3A_1113, %swap3A_1114], %gather3A_1083 {strides = array<i32>} : memref<8x128xf32, #tpu.memory_space<vmem>>, vector<16xf32>,
      %swap3A_1116 = arith.constant 5 : i32
      %swap3A_1117 = arith.index_cast %swap3A_1116 : i32 to index
      %swap3A_1118 = arith.constant 96 : index
      %swap3A_1119 = tpu.vector_load %arg8[%swap3A_1117, %swap3A_1118] {strides = array<i32>} : memref<8x128xf32, #tpu.memory_space<vmem>>, vector<16xf32>,
      tpu.vector_store %arg8[%swap3A_1117, %swap3A_1118], %gather3A_1087 {strides = array<i32>} : memref<8x128xf32, #tpu.memory_space<vmem>>, vector<16xf32>,
      %swap3A_1120 = arith.constant 6 : i32
      %swap3A_1121 = arith.index_cast %swap3A_1120 : i32 to index
      %swap3A_1122 = arith.constant 96 : index
      %swap3A_1123 = tpu.vector_load %arg8[%swap3A_1121, %swap3A_1122] {strides = array<i32>} : memref<8x128xf32, #tpu.memory_space<vmem>>, vector<16xf32>,
      tpu.vector_store %arg8[%swap3A_1121, %swap3A_1122], %gather3A_1091 {strides = array<i32>} : memref<8x128xf32, #tpu.memory_space<vmem>>, vector<16xf32>,
      %swap3A_1124 = arith.constant 7 : i32
      %swap3A_1125 = arith.index_cast %swap3A_1124 : i32 to index
      %swap3A_1126 = arith.constant 96 : index
      %swap3A_1127 = tpu.vector_load %arg8[%swap3A_1125, %swap3A_1126] {strides = array<i32>} : memref<8x128xf32, #tpu.memory_space<vmem>>, vector<16xf32>,
      tpu.vector_store %arg8[%swap3A_1125, %swap3A_1126], %gather3A_1095 {strides = array<i32>} : memref<8x128xf32, #tpu.memory_space<vmem>>, vector<16xf32>,
      %mul3A_1128 = arith.constant 128 : i32
      %mul3A_1129 = arith.muli %add3A_632, %mul3A_1128 : i32
      %add3A_1130 = arith.constant 112 : i32
      %add3A_1131 = arith.addi %mul3A_1129, %add3A_1130 : i32
      %get3A_1132 = arith.index_cast %add3A_1131 : i32 to index
      %get3A_1133 = tpu.vector_load %arg5[%get3A_1132] {strides = array<i32>} : memref<4096xi32, #tpu.memory_space<vmem>>, vector<16xi32>,
      %add3A_1134 = arith.constant 0 : i32
      %add3A_1135 = vector.broadcast %add3A_1134 : i32 to vector<16xi32>
      %add3A_1136 = arith.addi %get3A_1133, %add3A_1135 : vector<16xi32>
      %gather3A_1137 = tpu.vector_load_idx %arg6[%add3A_1136] : memref<8008xf32, #tpu.memory_space<vmem>>[vector<16xi32>], vector<16xf32>,
      %add3A_1138 = arith.constant 1001 : i32
      %add3A_1139 = vector.broadcast %add3A_1138 : i32 to vector<16xi32>
      %add3A_1140 = arith.addi %get3A_1133, %add3A_1139 : vector<16xi32>
      %gather3A_1141 = tpu.vector_load_idx %arg6[%add3A_1140] : memref<8008xf32, #tpu.memory_space<vmem>>[vector<16xi32>], vector<16xf32>,
      %add3A_1142 = arith.constant 2002 : i32
      %add3A_1143 = vector.broadcast %add3A_1142 : i32 to vector<16xi32>
      %add3A_1144 = arith.addi %get3A_1133, %add3A_1143 : vector<16xi32>
      %gather3A_1145 = tpu.vector_load_idx %arg6[%add3A_1144] : memref<8008xf32, #tpu.memory_space<vmem>>[vector<16xi32>], vector<16xf32>,
      %add3A_1146 = arith.constant 3003 : i32
      %add3A_1147 = vector.broadcast %add3A_1146 : i32 to vector<16xi32>
      %add3A_1148 = arith.addi %get3A_1133, %add3A_1147 : vector<16xi32>
      %gather3A_1149 = tpu.vector_load_idx %arg6[%add3A_1148] : memref<8008xf32, #tpu.memory_space<vmem>>[vector<16xi32>], vector<16xf32>,
      %add3A_1150 = arith.constant 4004 : i32
      %add3A_1151 = vector.broadcast %add3A_1150 : i32 to vector<16xi32>
      %add3A_1152 = arith.addi %get3A_1133, %add3A_1151 : vector<16xi32>
      %gather3A_1153 = tpu.vector_load_idx %arg6[%add3A_1152] : memref<8008xf32, #tpu.memory_space<vmem>>[vector<16xi32>], vector<16xf32>,
      %add3A_1154 = arith.constant 5005 : i32
      %add3A_1155 = vector.broadcast %add3A_1154 : i32 to vector<16xi32>
      %add3A_1156 = arith.addi %get3A_1133, %add3A_1155 : vector<16xi32>
      %gather3A_1157 = tpu.vector_load_idx %arg6[%add3A_1156] : memref<8008xf32, #tpu.memory_space<vmem>>[vector<16xi32>], vector<16xf32>,
      %add3A_1158 = arith.constant 6006 : i32
      %add3A_1159 = vector.broadcast %add3A_1158 : i32 to vector<16xi32>
      %add3A_1160 = arith.addi %get3A_1133, %add3A_1159 : vector<16xi32>
      %gather3A_1161 = tpu.vector_load_idx %arg6[%add3A_1160] : memref<8008xf32, #tpu.memory_space<vmem>>[vector<16xi32>], vector<16xf32>,
      %add3A_1162 = arith.constant 7007 : i32
      %add3A_1163 = vector.broadcast %add3A_1162 : i32 to vector<16xi32>
      %add3A_1164 = arith.addi %get3A_1133, %add3A_1163 : vector<16xi32>
      %gather3A_1165 = tpu.vector_load_idx %arg6[%add3A_1164] : memref<8008xf32, #tpu.memory_space<vmem>>[vector<16xi32>], vector<16xf32>,
      %swap3A_1166 = arith.constant 0 : i32
      %swap3A_1167 = arith.index_cast %swap3A_1166 : i32 to index
      %swap3A_1168 = arith.constant 112 : index
      %swap3A_1169 = tpu.vector_load %arg8[%swap3A_1167, %swap3A_1168] {strides = array<i32>} : memref<8x128xf32, #tpu.memory_space<vmem>>, vector<16xf32>,
      tpu.vector_store %arg8[%swap3A_1167, %swap3A_1168], %gather3A_1137 {strides = array<i32>} : memref<8x128xf32, #tpu.memory_space<vmem>>, vector<16xf32>,
      %swap3A_1170 = arith.constant 1 : i32
      %swap3A_1171 = arith.index_cast %swap3A_1170 : i32 to index
      %swap3A_1172 = arith.constant 112 : index
      %swap3A_1173 = tpu.vector_load %arg8[%swap3A_1171, %swap3A_1172] {strides = array<i32>} : memref<8x128xf32, #tpu.memory_space<vmem>>, vector<16xf32>,
      tpu.vector_store %arg8[%swap3A_1171, %swap3A_1172], %gather3A_1141 {strides = array<i32>} : memref<8x128xf32, #tpu.memory_space<vmem>>, vector<16xf32>,
      %swap3A_1174 = arith.constant 2 : i32
      %swap3A_1175 = arith.index_cast %swap3A_1174 : i32 to index
      %swap3A_1176 = arith.constant 112 : index
      %swap3A_1177 = tpu.vector_load %arg8[%swap3A_1175, %swap3A_1176] {strides = array<i32>} : memref<8x128xf32, #tpu.memory_space<vmem>>, vector<16xf32>,
      tpu.vector_store %arg8[%swap3A_1175, %swap3A_1176], %gather3A_1145 {strides = array<i32>} : memref<8x128xf32, #tpu.memory_space<vmem>>, vector<16xf32>,
      %swap3A_1178 = arith.constant 3 : i32
      %swap3A_1179 = arith.index_cast %swap3A_1178 : i32 to index
      %swap3A_1180 = arith.constant 112 : index
      %swap3A_1181 = tpu.vector_load %arg8[%swap3A_1179, %swap3A_1180] {strides = array<i32>} : memref<8x128xf32, #tpu.memory_space<vmem>>, vector<16xf32>,
      tpu.vector_store %arg8[%swap3A_1179, %swap3A_1180], %gather3A_1149 {strides = array<i32>} : memref<8x128xf32, #tpu.memory_space<vmem>>, vector<16xf32>,
      %swap3A_1182 = arith.constant 4 : i32
      %swap3A_1183 = arith.index_cast %swap3A_1182 : i32 to index
      %swap3A_1184 = arith.constant 112 : index
      %swap3A_1185 = tpu.vector_load %arg8[%swap3A_1183, %swap3A_1184] {strides = array<i32>} : memref<8x128xf32, #tpu.memory_space<vmem>>, vector<16xf32>,
      tpu.vector_store %arg8[%swap3A_1183, %swap3A_1184], %gather3A_1153 {strides = array<i32>} : memref<8x128xf32, #tpu.memory_space<vmem>>, vector<16xf32>,
      %swap3A_1186 = arith.constant 5 : i32
      %swap3A_1187 = arith.index_cast %swap3A_1186 : i32 to index
      %swap3A_1188 = arith.constant 112 : index
      %swap3A_1189 = tpu.vector_load %arg8[%swap3A_1187, %swap3A_1188] {strides = array<i32>} : memref<8x128xf32, #tpu.memory_space<vmem>>, vector<16xf32>,
      tpu.vector_store %arg8[%swap3A_1187, %swap3A_1188], %gather3A_1157 {strides = array<i32>} : memref<8x128xf32, #tpu.memory_space<vmem>>, vector<16xf32>,
      %swap3A_1190 = arith.constant 6 : i32
      %swap3A_1191 = arith.index_cast %swap3A_1190 : i32 to index
      %swap3A_1192 = arith.constant 112 : index
      %swap3A_1193 = tpu.vector_load %arg8[%swap3A_1191, %swap3A_1192] {strides = array<i32>} : memref<8x128xf32, #tpu.memory_space<vmem>>, vector<16xf32>,
      tpu.vector_store %arg8[%swap3A_1191, %swap3A_1192], %gather3A_1161 {strides = array<i32>} : memref<8x128xf32, #tpu.memory_space<vmem>>, vector<16xf32>,
      %swap3A_1194 = arith.constant 7 : i32
      %swap3A_1195 = arith.index_cast %swap3A_1194 : i32 to index
      %swap3A_1196 = arith.constant 112 : index
      %swap3A_1197 = tpu.vector_load %arg8[%swap3A_1195, %swap3A_1196] {strides = array<i32>} : memref<8x128xf32, #tpu.memory_space<vmem>>, vector<16xf32>,
      tpu.vector_store %arg8[%swap3A_1195, %swap3A_1196], %gather3A_1165 {strides = array<i32>} : memref<8x128xf32, #tpu.memory_space<vmem>>, vector<16xf32>,
      %mul3A_1198 = arith.constant 128 : i32
      %mul3A_1199 = arith.muli %add3A_632, %mul3A_1198 : i32
      %add3A_1200 = arith.addi %mul3A_34, %mul3A_1199 : i32
      %dma_start3A_1201 = tpu.memref_slice %arg4[%mul3A_32, %add3A_1200] : memref<64x16384xf32, #tpu.memory_space<hbm>> -> memref<8x128xf32, #tpu.memory_space<hbm>>
      %dma_start3A_1202 = tpu.memref_slice %arg4[%mul3A_32, %add3A_1200] : memref<64x16384xf32, #tpu.memory_space<hbm>> -> memref<8x128xf32, #tpu.memory_space<hbm>>
      tpu.enqueue_dma source(%arg8 : memref<8x128xf32, #tpu.memory_space<vmem>>) target(%dma_start3A_1202 : memref<8x128xf32, #tpu.memory_space<hbm>>) target_semaphore(%arg12 : memref<!tpu.dma_semaphore, #tpu.memory_space<semaphore_mem>>)
    }
    %scan3A_47 = arith.constant 16 : i32
    %dma_wait3A_48 = arith.constant 0 : i32
    %dma_wait3A_49 = arith.constant 0 : i32
    %dma_wait3A_50 = tpu.memref_slice %arg4[%dma_wait3A_48, %dma_wait3A_49] : memref<64x16384xf32, #tpu.memory_space<hbm>> -> memref<8x128xf32, #tpu.memory_space<hbm>>
    %dma_wait3A_51 = arith.constant 0 : i32
    %dma_wait3A_52 = arith.constant 0 : i32
    %dma_wait3A_53 = tpu.memref_slice %arg4[%dma_wait3A_51, %dma_wait3A_52] : memref<64x16384xf32, #tpu.memory_space<hbm>> -> memref<8x128xf32, #tpu.memory_space<hbm>>
    tpu.wait_dma2 semaphore(%arg11 : memref<!tpu.dma_semaphore, #tpu.memory_space<semaphore_mem>>) src(%arg7 : memref<8x128xf32, #tpu.memory_space<vmem>>) dst(%dma_wait3A_53 : memref<8x128xf32, #tpu.memory_space<hbm>>)
    %dma_wait3A_54 = arith.constant 0 : i32
    %dma_wait3A_55 = arith.constant 0 : i32
    %dma_wait3A_56 = tpu.memref_slice %arg4[%dma_wait3A_54, %dma_wait3A_55] : memref<64x16384xf32, #tpu.memory_space<hbm>> -> memref<8x128xf32, #tpu.memory_space<hbm>>
    %dma_wait3A_57 = arith.constant 0 : i32
    %dma_wait3A_58 = arith.constant 0 : i32
    %dma_wait3A_59 = tpu.memref_slice %arg4[%dma_wait3A_57, %dma_wait3A_58] : memref<64x16384xf32, #tpu.memory_space<hbm>> -> memref<8x128xf32, #tpu.memory_space<hbm>>
    tpu.wait_dma2 semaphore(%arg12 : memref<!tpu.dma_semaphore, #tpu.memory_space<semaphore_mem>>) src(%arg8 : memref<8x128xf32, #tpu.memory_space<vmem>>) dst(%dma_wait3A_59 : memref<8x128xf32, #tpu.memory_space<hbm>>)
    return
  }
}

</mosaic_0001>

<sc_bundles>
// kernel: kernel.3.cloned.1.call-start
scs
__scs_entry_jumppad:
0x0: {  	(pc) =	sbr.rel $0x88, $3  }
0x1: {  	(tag) =	ssettag $0x0;
	lr =	simm.s32 $0x1  }
0x2: {  	[smem:$0x3F9F] =	sst lr;
	_ =	strace $0xD0000000  }
0x3: {  	_ = 	snop  }
0x4: {  	_ = 	snop  }
0x5: {  	_ = 	snop  }
0x6: {  	_ = 	snop  }
0x7: {  	_ = 	snop  }
__scs_overlays_trampoline_lowered:
0x8: {  	[smem:$0x3FAE] =	sst s0  }
0x9: {  	[smem:$0x3FAF] =	sst s1  }
0xa: {  	[smem:$0x3FB0] =	sst s2  }
0xb: {  	[smem:$0x3FB1] =	sst s3  }
0xc: {  	[smem:$0x3FB2] =	sst s4  }
0xd: {  	[smem:$0x3FB3] =	sst s5  }
0xe: {  	[smem:$0x3FB4] =	sst s6  }
0xf: {  	[smem:$0x3FB5] =	sst s7  }
0x10: {  	[smem:$0x3FB6] =	sst s8  }
0x11: {  	[smem:$0x3FB7] =	sst s9;
	s0 =	simm.s32 @!p0 $0x0  }
0x12: {  	s1 =	sld [smem:$0x3F9D];
	s0 =	simm.s32 @p0 $0x1  }
0x13: {  	[smem:$0x3FB8] =	sst s0;
	s0 =	simm.s32 @!p1 $0x0  }
0x14: {  	s2 =	sld [smem:$0x3F9C];
	s0 =	simm.s32 @p1 $0x1  }
0x15: {  	[smem:$0x3FB9] =	sst s0;
	s0 =	simm.s32 @!p2 $0x0  }
0x16: {  	s3 =	sld [smem:$0x3FDB];
	s0 =	simm.s32 @p2 $0x1  }
0x17: {  	s4 =	simm.s32 $0x1BF5;
	[smem:$0x3FBB] =	sst s0  }
0x18: {  	s0 =	sld [smem:$0x3F9E];
	_ =	swait.ge [sflag:s4], $0x0  }
0x19: {  	s7 =	sld [smem:$0x3F9F]  }
0x1a: {  	s8 =	sadd.s32 $0xFFFFE003, lr  }
0x1b: {  	s9 =	sadd.s32 $0xFFFFFEF7, lr;
	s5 =	simm.s32 $0xFFFFFFFF;
	p2 =	slt.u32 s8, $0xFFFFF086  }
0x1c: {  	p1 =	slt.u32 s9, $0xF7A;
	s5 =	simm.s32 @!p2 $0x0  }
0x1d: {  	s5 =	simm.s32 @p1 $0x1;
	p0 =	seq.s32 s7, s2  }
0x1e: {  	s7 =	smul.u32 @!p0 $0xF7A, s2;
	p2 =	seq.s32 @!p0 s5, $0x0  }
0x1f: {  	s9 =	smul.u32 $0xF7A, s1;
	s8 =	simm.s32 @!p0 $0x1BF5;
	p2 =	por !p2, p0  }
0x20: {  	[sflag:s8] =	ssyncset.s32 @!p0 $0xFFFFF086;
	s6 =	sadd.s32 @!p0 s3, s7;
	s7 =	simm.s32 @!p0 $0x108  }
0x21: {  	s3 =	sadd.s32 s3, s9;
	s6 =	sadd.s32 @!p0 $0x88, s6;
	s7 =	simm.s32 @p2 $0x1082  }
0x22: {  	[simem:s7], [sflag:s8] =	dma.local @!p0 [hbm:s6], $0xF7A  }
0x23: {  	s9 =	sor.u32 $0xD0000000, s2;
	s6 =	simm.s32 $0x108;
	_ =	swait.ge @!p0 [sflag:s8], $0x0  }
0x24: {  	s3 =	sadd.s32 $0x88, s3;
	s6 =	simm.s32 @!p1 $0x1082;
	[sflag:s4] =	ssyncset.s32 $0xFFFFF086  }
0x25: {  	[simem:s6], [sflag:s4] =	dma.local [hbm:s3], $0xF7A  }
0x26: {  	[smem:$0x3F9F] =	sst s1;
	(tag) =	ssettag s2;
	_ =	strace s9  }
0x27: {  	s1 =	sld [smem:$0x3FAF]  }
0x28: {  	s2 =	sld [smem:$0x3FB0]  }
0x29: {  	s4 =	sld [smem:$0x3FB2]  }
0x2a: {  	p0 =	seq.s32 s5, $0x0;
	s5 =	sld [smem:$0x3FB3]  }
0x2b: {  	s6 =	sld [smem:$0x3FB4]  }
0x2c: {  	s7 =	sld [smem:$0x3FB5]  }
0x2d: {  	s3 =	simm.s32 $0x108;
	s8 =	sld [smem:$0x3FB6]  }
0x2e: {  	s3 =	simm.s32 @!p0 $0x1082;
	s9 =	sld [smem:$0x3FB7]  }
0x2f: {  	lr =	sadd.s32 s0, s3;
	s0 =	sld [smem:$0x3FAE]  }
0x30: {  	s3 =	sld [smem:$0x3FB1]  }
0x31: {  	[smem:$0x3FBA] =	sst s10  }
0x32: {  	s10 =	sld [smem:$0x3FB8];
	_ =	sdelay $0x3  }
0x33: {  	p0 =	seq.s32 s10, $0x1;
	s10 =	sld [smem:$0x3FBA];
	_ =	sdelay $0x3  }
0x34: {  	[smem:$0x3FBA] =	sst s10  }
0x35: {  	s10 =	sld [smem:$0x3FB9];
	_ =	sdelay $0x3  }
0x36: {  	p1 =	seq.s32 s10, $0x1;
	s10 =	sld [smem:$0x3FBA];
	_ =	sdelay $0x3  }
0x37: {  	[smem:$0x3FBA] =	sst s10  }
0x38: {  	s10 =	sld [smem:$0x3FBB]  }
0x39: {  	_ = 	snop;
	(pc) =	sbr.ind lr, $3  }
0x3a: {  	_ = 	snop  }
0x3b: {  	_ = 	snop  }
0x3c: {  	p2 =	seq.s32 s10, $0x1;
	s10 =	sld [smem:$0x3FBA]  }
0x3d: {  	_ =	shalt  }
0x3e: {  	_ =	shalt  }
0x3f: {  	_ =	shalt  }
0x40: {  	_ =	shalt  }
0x41: {  	_ =	shalt  }
0x42: {  	_ =	shalt  }
0x43: {  	_ =	shalt  }
0x44: {  	_ =	shalt  }
0x45: {  	_ =	shalt  }
0x46: {  	_ =	shalt  }
0x47: {  	_ =	shalt  }
0x48: {  	_ =	shalt  }
0x49: {  	_ =	shalt  }
0x4a: {  	_ =	shalt  }
0x4b: {  	_ =	shalt  }
0x4c: {  	_ =	shalt  }
0x4d: {  	_ =	shalt  }
0x4e: {  	_ =	shalt  }
0x4f: {  	_ =	shalt  }
0x50: {  	_ =	shalt  }
0x51: {  	_ =	shalt  }
0x52: {  	_ =	shalt  }
0x53: {  	_ =	shalt  }
0x54: {  	_ =	shalt  }
0x55: {  	_ =	shalt  }
0x56: {  	_ =	shalt  }
0x57: {  	_ =	shalt  }
0x58: {  	_ =	shalt  }
0x59: {  	_ =	shalt  }
0x5a: {  	_ =	shalt  }
0x5b: {  	_ =	shalt  }
0x5c: {  	_ =	shalt  }
0x5d: {  	_ =	shalt  }
0x5e: {  	_ =	shalt  }
0x5f: {  	_ =	shalt  }
0x60: {  	_ =	shalt  }
0x61: {  	_ =	shalt  }
0x62: {  	_ =	shalt  }
0x63: {  	_ =	shalt  }
0x64: {  	_ =	shalt  }
0x65: {  	_ =	shalt  }
0x66: {  	_ =	shalt  }
0x67: {  	_ =	shalt  }
0x68: {  	_ =	shalt  }
0x69: {  	_ =	shalt  }
0x6a: {  	_ =	shalt  }
0x6b: {  	_ =	shalt  }
0x6c: {  	_ =	shalt  }
0x6d: {  	_ =	shalt  }
0x6e: {  	_ =	shalt  }
0x6f: {  	_ =	shalt  }
0x70: {  	_ =	shalt  }
0x71: {  	_ =	shalt  }
0x72: {  	_ =	shalt  }
0x73: {  	_ =	shalt  }
0x74: {  	_ =	shalt  }
0x75: {  	_ =	shalt  }
0x76: {  	_ =	shalt  }
0x77: {  	_ =	shalt  }
0x78: {  	_ =	shalt  }
0x79: {  	_ =	shalt  }
0x7a: {  	_ =	shalt  }
0x7b: {  	_ =	shalt  }
0x7c: {  	_ =	shalt  }
0x7d: {  	_ =	shalt  }
0x7e: {  	_ =	shalt  }
0x7f: {  	_ =	shalt  }
0x80: {  	_ =	shalt  }
0x81: {  	_ =	shalt  }
0x82: {  	_ =	shalt  }
0x83: {  	_ =	shalt  }
0x84: {  	_ =	shalt  }
0x85: {  	_ =	shalt  }
0x86: {  	_ =	shalt  }
0x87: {  	_ =	shalt  }
.Lfunc_end0:
.L_simem_size_0:
called_computation_lowered:
.L_overlay_start_0:
0x88: {  	s2 =	sld [smem:$0x3FD9]  }
0x89: {  	s3 =	sld [smem:$0x3FFE];
	_ =	sdelay $0x1  }
0x8a: {  	s1 =	srdreg.scid  }
0x8b: {  	s0 =	sand.u32 $0x1, s1  }
0x8c: {  	s17 =	sshll.u32 s0, $0xA;
	s2 =	sadd.s32 s3, s2  }
0x8d: {  	s2 =	sadd.s32 s2, s17  }
0x8e: {  	[smem:$0x3FC6] =	sst s2  }
0x8f: {  	_ = 	snop  }
0x90: {  	s2 =	sld [smem:$0x3FC9]  }
0x91: {  	s18 =	sld [smem:$0x3FD0];
	(tm) =	ssettm $0x1  }
0x92: {  	s4 =	sld [smem:$0x3FFB];
	_ =	sdelay $0x3  }
0x93: {  	_ =	strace s4  }
0x94: {  	s4 =	sld [smem:$0x3FFC];
	_ =	sdelay $0x3  }
0x95: {  	_ =	strace s4  }
0x96: {  	s4 =	sld [smem:$0x3FFD];
	_ =	sdelay $0x3  }
0x97: {  	_ =	strace s4  }
0x98: {  	_ =	strace $0x8FFFFFFF  }
0x99: {  	s19 =	sld [smem:$0x3FDB];
	_ =	sdelay $0x1  }
0x9a: {  	s5 =	simm.s32 $_scs_section_size  }
0x9b: {  	s6 =	simm.s32 $_size__tile_overlayer_lowered;
	s7 =	simm.s32 $_tile_overlayer_lowered  }
0x9c: {  	s22 =	simm.s32 $0x1BFF;
	s21 =	sshll.u32 s7, $0x1;
	s4 =	sadd.s32 s5, s19  }
0x9d: {  	s8 =	simm.s32 $0x0;
	s20 =	sshll.u32 s6, $0x1;
	s6 =	sadd.s32 s21, s4  }
0x9e: {  	[timem:s8], [sflag:s22] =	dma.local [hbm:s6], s20  }
0x9f: {  	_ =	swait.ge [sflag:s22], s20  }
0xa0: {  	s5 =	ssub.s32 $0x0, s20;
	[sflag:s22] =	ssyncset.done $0x0  }
0xa1: {  	[sflag:s22] =	ssyncadd.s32 s5;
	_ =	sdelay $0x1  }
0xa2: {  	s23 =	simm.s32 $0x1B8B  }
0xa3: {  	_ =	swait.ge [sflag:s23], $0x1  }
0xa4: {  	[sflag:s23] =	ssyncset.done $0x0  }
0xa5: {  	s25 =	simm.s32 $0x1B8E;
	s24 =	sld [smem:$0x3FFE];
	[sflag:s23] =	ssyncadd.s32 $0xFFFFFFFF  }
0xa6: {  	s26 =	simm.s32 $execute0_lowered;
	[smem:$0x3FD2] =	sst s25  }
0xa7: {  	s6 =	sshll.u32 s26, $0x1;
	_ =	strace $0x80000046;
	[dreg:$0x1] =	wrdreg $0xFFFFFFFF  }
0xa8: {  	s28 =	simm.s32 $_size_execute0_lowered;
	s4 =	sadd.s32 s4, s6;
	[dreg:$0x0] =	wrdreg $0x0  }
0xa9: {  	s6 =	sshll.u32 s28, $0x1;
	[dreg:$0x2] =	wrdreg s4  }
0xaa: {  	[dreg:$0x3] =	wrdreg s6  }
0xab: {  	[dreg:$0x4] =	wrdreg $0xC0  }
0xac: {  	_ =	task [dreg:s8], $0x5FFFF  }
0xad: {  	[dreg:$0x1] =	wrdreg $0xFFFFFFFF  }
0xae: {  	[dreg:$0x0] =	wrdreg $0x60  }
0xaf: {  	[dreg:$0x2] =	wrdreg s2  }
0xb0: {  	[dreg:$0x3] =	wrdreg s24  }
0xb1: {  	[dreg:$0x4] =	wrdreg s18  }
0xb2: {  	[dreg:$0x5] =	wrdreg $0x9  }
0xb3: {  	_ =	task.clear_ibuf [dreg:s8], $0x6FFFF;
	_ =	strace $0x90000046  }
0xb4: {  	s29 =	simm.s32 $0x9;
	_ =	strace $0x80000048  }
0xb5: {  	_ =	swait.ge [sflag:s29], $0x1  }
0xb6: {  	[sflag:s29] =	ssyncadd.s32 $0xFFFFFFFF  }
0xb7: {  	_ =	strace $0x90000048  }
0xb8: {  	_ =	sfence  }
0xb9: {  	s30 =	sld [smem:$0x0];
	_ =	sdelay $0x2  }
0xba: {  	s31 =	sshll.u32 s1, $0xD;
	s1 =	sshrl.u32 s1, $0x2  }
0xbb: {  	s3 =	sand.u32 $0x4000, s31;
	s1 =	sadd.s32 s1, s30  }
0xbc: {  	s0 =	sor.u32 s3, s0;
	s1 =	sshll.u32 s1, $0x11  }
0xbd: {  	s0 =	sor.u32 s1, s0  }
0xbe: {  	s0 =	sadd.s32 $0x8F2B, s0  }
0xbf: {  	[sflag:s0] =	ssyncadd.remote.s32 $0x1  }
0xc0: {  	_ =	sfence.sel $0xFFFF  }
0xc1: {  	[dreg:$0x0] =	wrdreg $0xFFFFFFFF;
	(pc) =	sbr.abs _section_cstart, $3  }
0xc2: {  	[dreg:$0x1] =	wrdreg $0xFFFFFFFF  }
0xc3: {  	_ =	task.clear_ibuf [dreg:s8], $0x2FFFF;
	_ =	strace $0x9FFFFFFF  }
0xc4: {  	(tm) =	ssettm $0x7FFFFFFF  }
0xc5: {  	_ =	shalt  }
tec
execute0_lowered:
.L_overlay_start_1:
0x0: {  	(tag) =	ssettag $0x1  }
0x1: {  	s4 =	rddreg [dreg:$0x0]  }
0x2: {  	s0 =	stileid.u32;
	s3 =	rddreg [dreg:$0x1]  }
0x3: {  	s1 =	srdreg.scid;
	s6 =	rddreg [dreg:$0x2]  }
0x4: {  	s11 =	simm.s32 $0x3380;
	s12 =	simm.s32 $0x3;
	s13 =	simm.s32 $0x4  }
0x5: {  	s14 =	simm.s32 $0x0;
	s2 =	sshll.u32 s0, $0x1;
	s5 =	sand.u32 $0x1, s1  }
0x6: {  	s1 =	rddreg [dreg:$0x3];
	s30 =	sshll.u32 s0, $0xA;
	s9 =	sand.u32 $0x3, s0  }
0x7: {  	s28 =	sand.u32 $0x6, s2;
	s2 =	simm.s32 $0x0;
	s8 =	ssub.s32 $0x2, s5  }
0x8: {  	s9 =	sshll.u32 s9, $0xF;
	s31 =	sshll.u32 s5, $0xE;
	s7 =	sor.u32 s5, s28  }
0x9: {  	[smem:$0x7FF] =	sst s2;
	s29 =	sshrl.u32 s8, $0x1;
	s7 =	smul.u32 $0x3E9, s7  }
0xa: {  	s6 =	sadd.s32 s9, s6;
	s9 =	simm.s32 $0x1;
	_ =	strace $0x80000047  }
0xb: {  	s3 =	sadd.s32 s7, s3;
	s7 =	ssub.s32 s8, s29;
	s8 =	sand.u32 $0x3000, s30  }
0xc: {  	s6 =	sadd.s32 s31, s6;
	s3 =	sadd.s32 $0x400, s3;
	s10 =	sshrl.u32 s8, $0x3  }
0xd: {  	s5 =	smax.u32 s7, $0x1;
	s6 =	sadd.s32 s8, s6;
	s7 =	simm.s32 $0x1000  }
0xe: {  	s8 =	simm.s32 $0x2;
	s4 =	sadd.s32 s4, s10;
	s10 =	simm.s32 $0x2F80  }
.LBB2_1:
0xf: {  	[tilespmem:s7], [sflag:$0x1] =	stream.linear.gather [hbm4b:s3+s2], $0x1F48, $0x38;
	[tilespmem:$0x3780] =	vst v63  }
0x10: {  	_ = 	snop  }
0x11: {  	[tilespmem:s2], [sflag:$0x2] =	stream.linear.gather [hbm4b:s4+s2], $0x1000, $0x38;
	[tilespmem:$0x3780] =	vst v63  }
0x12: {  	_ =	swait.ge [sflag:s8], $0x1000  }
0x13: {  	[sflag:s8] =	ssyncset.done $0x0  }
0x14: {  	[sflag:s8] =	ssyncadd.s32 $0xFFFFF000  }
0x15: {  	_ =	swait.ge [sflag:s9], $0x1F48  }
0x16: {  	[sflag:s9] =	ssyncset.done $0x0  }
0x17: {  	s15 =	simm.s32 $0x80;
	s16 =	simm.s32 $0x0;
	[sflag:s9] =	ssyncadd.s32 $0xFFFFE0B8  }
.LBB2_2:
0x18: {  	p0 =	seq.s32 s16, $0x0  }
0x19: {  	s17 =	simm.s32 @!p0 $0x3  }
0x1a: {  	_ =	swait.ge @!p0 [sflag:s17], $0x400  }
0x1b: {  	[sflag:s17] =	ssyncset.done @!p0 $0x0  }
0x1c: {  	[sflag:s17] =	ssyncadd.s32 @!p0 $0xFFFFFC00  }
0x1d: {  	v0 =	vld [tilespmem:s15+$0xFFFFFF80];
	_ =	sdelay $0x4  }
0x1e: {  	v1 =	vadd.s32 $0x3E9, v0  }
0x1f: {  	v2 =	vadd.s32 $0x7D2, v0  }
0x20: {  	v3 =	vadd.s32 $0xBBB, v0  }
0x21: {  	v4 =	vadd.s32 $0xFA4, v0  }
0x22: {  	v6 =	vadd.s32 $0x138D, v0;
	v5 =	vld.idx.msk [tilespmem:v0+s7+$0x0], $0xffff  }
0x23: {  	v7 =	vadd.s32 $0x1776, v0;
	v1 =	vld.idx.msk [tilespmem:v1+s7+$0x0], $0xffff  }
0x24: {  	v0 =	vadd.s32 $0x1B5F, v0;
	v2 =	vld.idx.msk [tilespmem:v2+s7+$0x0], $0xffff  }
0x25: {  	v3 =	vld.idx.msk [tilespmem:v3+s7+$0x0], $0xffff  }
0x26: {  	v4 =	vld.idx.msk [tilespmem:v4+s7+$0x0], $0xffff  }
0x27: {  	v6 =	vld.idx.msk [tilespmem:v6+s7+$0x0], $0xffff  }
0x28: {  	v7 =	vld.idx.msk [tilespmem:v7+s7+$0x0], $0xffff  }
0x29: {  	v0 =	vld.idx.msk [tilespmem:v0+s7+$0x0], $0xffff;
	[tilespmem:$0x2F80] =	vst v5  }
0x2a: {  	[tilespmem:$0x3000] =	vst v1  }
0x2b: {  	[tilespmem:$0x3080] =	vst v2  }
0x2c: {  	[tilespmem:$0x3100] =	vst v3  }
0x2d: {  	[tilespmem:$0x3180] =	vst v4  }
0x2e: {  	[tilespmem:$0x3200] =	vst v6  }
0x2f: {  	[tilespmem:$0x3280] =	vst v7  }
0x30: {  	[tilespmem:$0x3300] =	vst v0  }
0x31: {  	v0 =	vld [tilespmem:s15+$0xFFFFFF90];
	_ =	sdelay $0x4  }
0x32: {  	v27 =	vadd.s32 $0x3E9, v0  }
0x33: {  	v28 =	vadd.s32 $0x7D2, v0  }
0x34: {  	v29 =	vadd.s32 $0xBBB, v0  }
0x35: {  	v30 =	vadd.s32 $0xFA4, v0  }
0x36: {  	v31 =	vadd.s32 $0x138D, v0;
	v5 =	vld.idx.msk [tilespmem:v0+s7+$0x0], $0xffff  }
0x37: {  	v32 =	vadd.s32 $0x1776, v0;
	v1 =	vld.idx.msk [tilespmem:v27+s7+$0x0], $0xffff  }
0x38: {  	v0 =	vadd.s32 $0x1B5F, v0;
	v2 =	vld.idx.msk [tilespmem:v28+s7+$0x0], $0xffff  }
0x39: {  	v3 =	vld.idx.msk [tilespmem:v29+s7+$0x0], $0xffff  }
0x3a: {  	v4 =	vld.idx.msk [tilespmem:v30+s7+$0x0], $0xffff  }
0x3b: {  	v6 =	vld.idx.msk [tilespmem:v31+s7+$0x0], $0xffff  }
0x3c: {  	v7 =	vld.idx.msk [tilespmem:v32+s7+$0x0], $0xffff  }
0x3d: {  	v0 =	vld.idx.msk [tilespmem:v0+s7+$0x0], $0xffff;
	[tilespmem:$0x2F90] =	vst v5  }
0x3e: {  	[tilespmem:$0x3010] =	vst v1  }
0x3f: {  	[tilespmem:$0x3090] =	vst v2  }
0x40: {  	[tilespmem:$0x3110] =	vst v3  }
0x41: {  	[tilespmem:$0x3190] =	vst v4  }
0x42: {  	[tilespmem:$0x3210] =	vst v6  }
0x43: {  	[tilespmem:$0x3290] =	vst v7  }
0x44: {  	[tilespmem:$0x3310] =	vst v0  }
0x45: {  	v0 =	vld [tilespmem:s15+$0xFFFFFFA0];
	_ =	sdelay $0x4  }
0x46: {  	v33 =	vadd.s32 $0x3E9, v0  }
0x47: {  	v34 =	vadd.s32 $0x7D2, v0  }
0x48: {  	v35 =	vadd.s32 $0xBBB, v0  }
0x49: {  	v36 =	vadd.s32 $0xFA4, v0  }
0x4a: {  	v37 =	vadd.s32 $0x138D, v0;
	v5 =	vld.idx.msk [tilespmem:v0+s7+$0x0], $0xffff  }
0x4b: {  	v38 =	vadd.s32 $0x1776, v0;
	v1 =	vld.idx.msk [tilespmem:v33+s7+$0x0], $0xffff  }
0x4c: {  	v0 =	vadd.s32 $0x1B5F, v0;
	v2 =	vld.idx.msk [tilespmem:v34+s7+$0x0], $0xffff  }
0x4d: {  	v3 =	vld.idx.msk [tilespmem:v35+s7+$0x0], $0xffff  }
0x4e: {  	v4 =	vld.idx.msk [tilespmem:v36+s7+$0x0], $0xffff  }
0x4f: {  	v6 =	vld.idx.msk [tilespmem:v37+s7+$0x0], $0xffff  }
0x50: {  	v7 =	vld.idx.msk [tilespmem:v38+s7+$0x0], $0xffff  }
0x51: {  	v0 =	vld.idx.msk [tilespmem:v0+s7+$0x0], $0xffff;
	[tilespmem:$0x2FA0] =	vst v5  }
0x52: {  	[tilespmem:$0x3020] =	vst v1  }
0x53: {  	[tilespmem:$0x30A0] =	vst v2  }
0x54: {  	[tilespmem:$0x3120] =	vst v3  }
0x55: {  	[tilespmem:$0x31A0] =	vst v4  }
0x56: {  	[tilespmem:$0x3220] =	vst v6  }
0x57: {  	[tilespmem:$0x32A0] =	vst v7  }
0x58: {  	[tilespmem:$0x3320] =	vst v0  }
0x59: {  	v0 =	vld [tilespmem:s15+$0xFFFFFFB0];
	_ =	sdelay $0x4  }
0x5a: {  	v39 =	vadd.s32 $0x3E9, v0  }
0x5b: {  	v40 =	vadd.s32 $0x7D2, v0  }
0x5c: {  	v41 =	vadd.s32 $0xBBB, v0  }
0x5d: {  	v42 =	vadd.s32 $0xFA4, v0  }
0x5e: {  	v43 =	vadd.s32 $0x138D, v0;
	v5 =	vld.idx.msk [tilespmem:v0+s7+$0x0], $0xffff  }
0x5f: {  	v44 =	vadd.s32 $0x1776, v0;
	v1 =	vld.idx.msk [tilespmem:v39+s7+$0x0], $0xffff  }
0x60: {  	v0 =	vadd.s32 $0x1B5F, v0;
	v2 =	vld.idx.msk [tilespmem:v40+s7+$0x0], $0xffff  }
0x61: {  	v3 =	vld.idx.msk [tilespmem:v41+s7+$0x0], $0xffff  }
0x62: {  	v4 =	vld.idx.msk [tilespmem:v42+s7+$0x0], $0xffff  }
0x63: {  	v6 =	vld.idx.msk [tilespmem:v43+s7+$0x0], $0xffff  }
0x64: {  	v7 =	vld.idx.msk [tilespmem:v44+s7+$0x0], $0xffff  }
0x65: {  	v0 =	vld.idx.msk [tilespmem:v0+s7+$0x0], $0xffff;
	[tilespmem:$0x2FB0] =	vst v5  }
0x66: {  	[tilespmem:$0x3030] =	vst v1  }
0x67: {  	[tilespmem:$0x30B0] =	vst v2  }
0x68: {  	[tilespmem:$0x3130] =	vst v3  }
0x69: {  	[tilespmem:$0x31B0] =	vst v4  }
0x6a: {  	[tilespmem:$0x3230] =	vst v6  }
0x6b: {  	[tilespmem:$0x32B0] =	vst v7  }
0x6c: {  	[tilespmem:$0x3330] =	vst v0  }
0x6d: {  	v0 =	vld [tilespmem:s15+$0xFFFFFFC0];
	_ =	sdelay $0x4  }
0x6e: {  	v45 =	vadd.s32 $0x3E9, v0  }
0x6f: {  	v46 =	vadd.s32 $0x7D2, v0  }
0x70: {  	v47 =	vadd.s32 $0xBBB, v0  }
0x71: {  	v48 =	vadd.s32 $0xFA4, v0  }
0x72: {  	v49 =	vadd.s32 $0x138D, v0;
	v5 =	vld.idx.msk [tilespmem:v0+s7+$0x0], $0xffff  }
0x73: {  	v50 =	vadd.s32 $0x1776, v0;
	v1 =	vld.idx.msk [tilespmem:v45+s7+$0x0], $0xffff  }
0x74: {  	v0 =	vadd.s32 $0x1B5F, v0;
	v2 =	vld.idx.msk [tilespmem:v46+s7+$0x0], $0xffff  }
0x75: {  	v3 =	vld.idx.msk [tilespmem:v47+s7+$0x0], $0xffff  }
0x76: {  	v4 =	vld.idx.msk [tilespmem:v48+s7+$0x0], $0xffff  }
0x77: {  	v6 =	vld.idx.msk [tilespmem:v49+s7+$0x0], $0xffff  }
0x78: {  	v7 =	vld.idx.msk [tilespmem:v50+s7+$0x0], $0xffff  }
0x79: {  	v0 =	vld.idx.msk [tilespmem:v0+s7+$0x0], $0xffff;
	[tilespmem:$0x2FC0] =	vst v5  }
0x7a: {  	[tilespmem:$0x3040] =	vst v1  }
0x7b: {  	[tilespmem:$0x30C0] =	vst v2  }
0x7c: {  	[tilespmem:$0x3140] =	vst v3  }
0x7d: {  	[tilespmem:$0x31C0] =	vst v4  }
0x7e: {  	[tilespmem:$0x3240] =	vst v6  }
0x7f: {  	[tilespmem:$0x32C0] =	vst v7  }
0x80: {  	[tilespmem:$0x3340] =	vst v0  }
0x81: {  	v0 =	vld [tilespmem:s15+$0xFFFFFFD0];
	_ =	sdelay $0x4  }
0x82: {  	v51 =	vadd.s32 $0x3E9, v0  }
0x83: {  	v52 =	vadd.s32 $0x7D2, v0  }
0x84: {  	v53 =	vadd.s32 $0xBBB, v0  }
0x85: {  	v54 =	vadd.s32 $0xFA4, v0  }
0x86: {  	v55 =	vadd.s32 $0x138D, v0;
	v5 =	vld.idx.msk [tilespmem:v0+s7+$0x0], $0xffff  }
0x87: {  	v56 =	vadd.s32 $0x1776, v0;
	v1 =	vld.idx.msk [tilespmem:v51+s7+$0x0], $0xffff  }
0x88: {  	v0 =	vadd.s32 $0x1B5F, v0;
	v2 =	vld.idx.msk [tilespmem:v52+s7+$0x0], $0xffff  }
0x89: {  	v3 =	vld.idx.msk [tilespmem:v53+s7+$0x0], $0xffff  }
0x8a: {  	v4 =	vld.idx.msk [tilespmem:v54+s7+$0x0], $0xffff  }
0x8b: {  	v6 =	vld.idx.msk [tilespmem:v55+s7+$0x0], $0xffff  }
0x8c: {  	v7 =	vld.idx.msk [tilespmem:v56+s7+$0x0], $0xffff  }
0x8d: {  	v0 =	vld.idx.msk [tilespmem:v0+s7+$0x0], $0xffff;
	[tilespmem:$0x2FD0] =	vst v5  }
0x8e: {  	[tilespmem:$0x3050] =	vst v1  }
0x8f: {  	[tilespmem:$0x30D0] =	vst v2  }
0x90: {  	[tilespmem:$0x3150] =	vst v3  }
0x91: {  	[tilespmem:$0x31D0] =	vst v4  }
0x92: {  	[tilespmem:$0x3250] =	vst v6  }
0x93: {  	[tilespmem:$0x32D0] =	vst v7  }
0x94: {  	[tilespmem:$0x3350] =	vst v0  }
0x95: {  	v0 =	vld [tilespmem:s15+$0xFFFFFFE0];
	_ =	sdelay $0x4  }
0x96: {  	v57 =	vadd.s32 $0x3E9, v0  }
0x97: {  	v58 =	vadd.s32 $0x7D2, v0  }
0x98: {  	v59 =	vadd.s32 $0xBBB, v0  }
0x99: {  	v60 =	vadd.s32 $0xFA4, v0  }
0x9a: {  	v61 =	vadd.s32 $0x138D, v0;
	v5 =	vld.idx.msk [tilespmem:v0+s7+$0x0], $0xffff  }
0x9b: {  	v62 =	vadd.s32 $0x1776, v0;
	v1 =	vld.idx.msk [tilespmem:v57+s7+$0x0], $0xffff  }
0x9c: {  	v0 =	vadd.s32 $0x1B5F, v0;
	v2 =	vld.idx.msk [tilespmem:v58+s7+$0x0], $0xffff  }
0x9d: {  	v3 =	vld.idx.msk [tilespmem:v59+s7+$0x0], $0xffff  }
0x9e: {  	v4 =	vld.idx.msk [tilespmem:v60+s7+$0x0], $0xffff  }
0x9f: {  	v6 =	vld.idx.msk [tilespmem:v61+s7+$0x0], $0xffff  }
0xa0: {  	v7 =	vld.idx.msk [tilespmem:v62+s7+$0x0], $0xffff  }
0xa1: {  	v0 =	vld.idx.msk [tilespmem:v0+s7+$0x0], $0xffff;
	[tilespmem:$0x2FE0] =	vst v5  }
0xa2: {  	[tilespmem:$0x3060] =	vst v1  }
0xa3: {  	[tilespmem:$0x30E0] =	vst v2  }
0xa4: {  	[tilespmem:$0x3160] =	vst v3  }
0xa5: {  	[tilespmem:$0x31E0] =	vst v4  }
0xa6: {  	[tilespmem:$0x3260] =	vst v6  }
0xa7: {  	[tilespmem:$0x32E0] =	vst v7  }
0xa8: {  	[tilespmem:$0x3360] =	vst v0  }
0xa9: {  	v0 =	vld [tilespmem:s15+$0xFFFFFFF0];
	_ =	sdelay $0x4  }
0xaa: {  	v63 =	vadd.s32 $0x3E9, v0  }
0xab: {  	v9 =	vadd.s32 $0x7D2, v0  }
0xac: {  	v10 =	vadd.s32 $0xBBB, v0  }
0xad: {  	v11 =	vadd.s32 $0xFA4, v0  }
0xae: {  	v12 =	vadd.s32 $0x138D, v0;
	v5 =	vld.idx.msk [tilespmem:v0+s7+$0x0], $0xffff  }
0xaf: {  	v13 =	vadd.s32 $0x1776, v0;
	v1 =	vld.idx.msk [tilespmem:v63+s7+$0x0], $0xffff  }
0xb0: {  	v0 =	vadd.s32 $0x1B5F, v0;
	v2 =	vld.idx.msk [tilespmem:v9+s7+$0x0], $0xffff  }
0xb1: {  	v3 =	vld.idx.msk [tilespmem:v10+s7+$0x0], $0xffff  }
0xb2: {  	v4 =	vld.idx.msk [tilespmem:v11+s7+$0x0], $0xffff  }
0xb3: {  	v6 =	vld.idx.msk [tilespmem:v12+s7+$0x0], $0xffff  }
0xb4: {  	v7 =	vld.idx.msk [tilespmem:v13+s7+$0x0], $0xffff  }
0xb5: {  	v0 =	vld.idx.msk [tilespmem:v0+s7+$0x0], $0xffff;
	[tilespmem:$0x2FF0] =	vst v5  }
0xb6: {  	[tilespmem:$0x3070] =	vst v1  }
0xb7: {  	[tilespmem:$0x30F0] =	vst v2  }
0xb8: {  	[tilespmem:$0x3170] =	vst v3  }
0xb9: {  	[tilespmem:$0x31F0] =	vst v4  }
0xba: {  	[tilespmem:$0x3270] =	vst v6  }
0xbb: {  	[tilespmem:$0x32F0] =	vst v7  }
0xbc: {  	s31 =	sadd.s32 s16, s6;
	s18 =	simm.s32 @!p0 $0x4;
	[tilespmem:$0x3370] =	vst v0  }
0xbd: {  	[hbm4b:s31+s2] =	stream.linear.scatter [tilespmem:s10], [sflag:$0x3], $0x400, $0x38;
	[tilespmem:$0x3780] =	vst v63  }
0xbe: {  	_ =	swait.ge @!p0 [sflag:s18], $0x400  }
0xbf: {  	[sflag:s18] =	ssyncset.done @!p0 $0x0  }
0xc0: {  	[sflag:s18] =	ssyncadd.s32 @!p0 $0xFFFFFC00  }
0xc1: {  	v14 =	vld [tilespmem:s15+$0x0];
	_ =	sdelay $0x4  }
0xc2: {  	v15 =	vadd.s32 $0x3E9, v14  }
0xc3: {  	v16 =	vadd.s32 $0x7D2, v14  }
0xc4: {  	v17 =	vadd.s32 $0xBBB, v14  }
0xc5: {  	v18 =	vadd.s32 $0xFA4, v14  }
0xc6: {  	v20 =	vadd.s32 $0x138D, v14;
	v19 =	vld.idx.msk [tilespmem:v14+s7+$0x0], $0xffff  }
0xc7: {  	v21 =	vadd.s32 $0x1776, v14;
	v1 =	vld.idx.msk [tilespmem:v15+s7+$0x0], $0xffff  }
0xc8: {  	v0 =	vadd.s32 $0x1B5F, v14;
	v2 =	vld.idx.msk [tilespmem:v16+s7+$0x0], $0xffff  }
0xc9: {  	v3 =	vld.idx.msk [tilespmem:v17+s7+$0x0], $0xffff  }
0xca: {  	v4 =	vld.idx.msk [tilespmem:v18+s7+$0x0], $0xffff  }
0xcb: {  	v6 =	vld.idx.msk [tilespmem:v20+s7+$0x0], $0xffff  }
0xcc: {  	v7 =	vld.idx.msk [tilespmem:v21+s7+$0x0], $0xffff  }
0xcd: {  	v0 =	vld.idx.msk [tilespmem:v0+s7+$0x0], $0xffff;
	[tilespmem:$0x3380] =	vst v19  }
0xce: {  	[tilespmem:$0x3400] =	vst v1  }
0xcf: {  	[tilespmem:$0x3480] =	vst v2  }
0xd0: {  	[tilespmem:$0x3500] =	vst v3  }
0xd1: {  	[tilespmem:$0x3580] =	vst v4  }
0xd2: {  	[tilespmem:$0x3600] =	vst v6  }
0xd3: {  	[tilespmem:$0x3680] =	vst v7  }
0xd4: {  	[tilespmem:$0x3700] =	vst v0  }
0xd5: {  	v0 =	vld [tilespmem:s15+$0x10];
	_ =	sdelay $0x4  }
0xd6: {  	v22 =	vadd.s32 $0x3E9, v0  }
0xd7: {  	v23 =	vadd.s32 $0x7D2, v0  }
0xd8: {  	v24 =	vadd.s32 $0xBBB, v0  }
0xd9: {  	v25 =	vadd.s32 $0xFA4, v0  }
0xda: {  	v26 =	vadd.s32 $0x138D, v0;
	v5 =	vld.idx.msk [tilespmem:v0+s7+$0x0], $0xffff  }
0xdb: {  	v27 =	vadd.s32 $0x1776, v0;
	v1 =	vld.idx.msk [tilespmem:v22+s7+$0x0], $0xffff  }
0xdc: {  	v0 =	vadd.s32 $0x1B5F, v0;
	v2 =	vld.idx.msk [tilespmem:v23+s7+$0x0], $0xffff  }
0xdd: {  	v3 =	vld.idx.msk [tilespmem:v24+s7+$0x0], $0xffff  }
0xde: {  	v4 =	vld.idx.msk [tilespmem:v25+s7+$0x0], $0xffff  }
0xdf: {  	v6 =	vld.idx.msk [tilespmem:v26+s7+$0x0], $0xffff  }
0xe0: {  	v7 =	vld.idx.msk [tilespmem:v27+s7+$0x0], $0xffff  }
0xe1: {  	v0 =	vld.idx.msk [tilespmem:v0+s7+$0x0], $0xffff;
	[tilespmem:$0x3390] =	vst v5  }
0xe2: {  	[tilespmem:$0x3410] =	vst v1  }
0xe3: {  	[tilespmem:$0x3490] =	vst v2  }
0xe4: {  	[tilespmem:$0x3510] =	vst v3  }
0xe5: {  	[tilespmem:$0x3590] =	vst v4  }
0xe6: {  	[tilespmem:$0x3610] =	vst v6  }
0xe7: {  	[tilespmem:$0x3690] =	vst v7  }
0xe8: {  	[tilespmem:$0x3710] =	vst v0  }
0xe9: {  	v0 =	vld [tilespmem:s15+$0x20];
	_ =	sdelay $0x4  }
0xea: {  	v28 =	vadd.s32 $0x3E9, v0  }
0xeb: {  	v29 =	vadd.s32 $0x7D2, v0  }
0xec: {  	v30 =	vadd.s32 $0xBBB, v0  }
0xed: {  	v31 =	vadd.s32 $0xFA4, v0  }
0xee: {  	v32 =	vadd.s32 $0x138D, v0;
	v5 =	vld.idx.msk [tilespmem:v0+s7+$0x0], $0xffff  }
0xef: {  	v33 =	vadd.s32 $0x1776, v0;
	v1 =	vld.idx.msk [tilespmem:v28+s7+$0x0], $0xffff  }
0xf0: {  	v0 =	vadd.s32 $0x1B5F, v0;
	v2 =	vld.idx.msk [tilespmem:v29+s7+$0x0], $0xffff  }
0xf1: {  	v3 =	vld.idx.msk [tilespmem:v30+s7+$0x0], $0xffff  }
0xf2: {  	v4 =	vld.idx.msk [tilespmem:v31+s7+$0x0], $0xffff  }
0xf3: {  	v6 =	vld.idx.msk [tilespmem:v32+s7+$0x0], $0xffff  }
0xf4: {  	v7 =	vld.idx.msk [tilespmem:v33+s7+$0x0], $0xffff  }
0xf5: {  	v0 =	vld.idx.msk [tilespmem:v0+s7+$0x0], $0xffff;
	[tilespmem:$0x33A0] =	vst v5  }
0xf6: {  	[tilespmem:$0x3420] =	vst v1  }
0xf7: {  	[tilespmem:$0x34A0] =	vst v2  }
0xf8: {  	[tilespmem:$0x3520] =	vst v3  }
0xf9: {  	[tilespmem:$0x35A0] =	vst v4  }
0xfa: {  	[tilespmem:$0x3620] =	vst v6  }
0xfb: {  	[tilespmem:$0x36A0] =	vst v7  }
0xfc: {  	[tilespmem:$0x3720] =	vst v0  }
0xfd: {  	v0 =	vld [tilespmem:s15+$0x30];
	_ =	sdelay $0x4  }
0xfe: {  	v34 =	vadd.s32 $0x3E9, v0  }
0xff: {  	v35 =	vadd.s32 $0x7D2, v0  }
0x100: {  	v36 =	vadd.s32 $0xBBB, v0  }
0x101: {  	v37 =	vadd.s32 $0xFA4, v0  }
0x102: {  	v38 =	vadd.s32 $0x138D, v0;
	v5 =	vld.idx.msk [tilespmem:v0+s7+$0x0], $0xffff  }
0x103: {  	v39 =	vadd.s32 $0x1776, v0;
	v1 =	vld.idx.msk [tilespmem:v34+s7+$0x0], $0xffff  }
0x104: {  	v0 =	vadd.s32 $0x1B5F, v0;
	v2 =	vld.idx.msk [tilespmem:v35+s7+$0x0], $0xffff  }
0x105: {  	v3 =	vld.idx.msk [tilespmem:v36+s7+$0x0], $0xffff  }
0x106: {  	v4 =	vld.idx.msk [tilespmem:v37+s7+$0x0], $0xffff  }
0x107: {  	v6 =	vld.idx.msk [tilespmem:v38+s7+$0x0], $0xffff  }
0x108: {  	v7 =	vld.idx.msk [tilespmem:v39+s7+$0x0], $0xffff  }
0x109: {  	v0 =	vld.idx.msk [tilespmem:v0+s7+$0x0], $0xffff;
	[tilespmem:$0x33B0] =	vst v5  }
0x10a: {  	[tilespmem:$0x3430] =	vst v1  }
0x10b: {  	[tilespmem:$0x34B0] =	vst v2  }
0x10c: {  	[tilespmem:$0x3530] =	vst v3  }
0x10d: {  	[tilespmem:$0x35B0] =	vst v4  }
0x10e: {  	[tilespmem:$0x3630] =	vst v6  }
0x10f: {  	[tilespmem:$0x36B0] =	vst v7  }
0x110: {  	[tilespmem:$0x3730] =	vst v0  }
0x111: {  	v0 =	vld [tilespmem:s15+$0x40];
	_ =	sdelay $0x4  }
0x112: {  	v40 =	vadd.s32 $0x3E9, v0  }
0x113: {  	v41 =	vadd.s32 $0x7D2, v0  }
0x114: {  	v42 =	vadd.s32 $0xBBB, v0  }
0x115: {  	v43 =	vadd.s32 $0xFA4, v0  }
0x116: {  	v44 =	vadd.s32 $0x138D, v0;
	v5 =	vld.idx.msk [tilespmem:v0+s7+$0x0], $0xffff  }
0x117: {  	v45 =	vadd.s32 $0x1776, v0;
	v1 =	vld.idx.msk [tilespmem:v40+s7+$0x0], $0xffff  }
0x118: {  	v0 =	vadd.s32 $0x1B5F, v0;
	v2 =	vld.idx.msk [tilespmem:v41+s7+$0x0], $0xffff  }
0x119: {  	v3 =	vld.idx.msk [tilespmem:v42+s7+$0x0], $0xffff  }
0x11a: {  	v4 =	vld.idx.msk [tilespmem:v43+s7+$0x0], $0xffff  }
0x11b: {  	v6 =	vld.idx.msk [tilespmem:v44+s7+$0x0], $0xffff  }
0x11c: {  	v7 =	vld.idx.msk [tilespmem:v45+s7+$0x0], $0xffff  }
0x11d: {  	v0 =	vld.idx.msk [tilespmem:v0+s7+$0x0], $0xffff;
	[tilespmem:$0x33C0] =	vst v5  }
0x11e: {  	[tilespmem:$0x3440] =	vst v1  }
0x11f: {  	[tilespmem:$0x34C0] =	vst v2  }
0x120: {  	[tilespmem:$0x3540] =	vst v3  }
0x121: {  	[tilespmem:$0x35C0] =	vst v4  }
0x122: {  	[tilespmem:$0x3640] =	vst v6  }
0x123: {  	[tilespmem:$0x36C0] =	vst v7  }
0x124: {  	[tilespmem:$0x3740] =	vst v0  }
0x125: {  	v0 =	vld [tilespmem:s15+$0x50];
	_ =	sdelay $0x4  }
0x126: {  	v46 =	vadd.s32 $0x3E9, v0  }
0x127: {  	v47 =	vadd.s32 $0x7D2, v0  }
0x128: {  	v48 =	vadd.s32 $0xBBB, v0  }
0x129: {  	v49 =	vadd.s32 $0xFA4, v0  }
0x12a: {  	v50 =	vadd.s32 $0x138D, v0;
	v5 =	vld.idx.msk [tilespmem:v0+s7+$0x0], $0xffff  }
0x12b: {  	v51 =	vadd.s32 $0x1776, v0;
	v1 =	vld.idx.msk [tilespmem:v46+s7+$0x0], $0xffff  }
0x12c: {  	v0 =	vadd.s32 $0x1B5F, v0;
	v2 =	vld.idx.msk [tilespmem:v47+s7+$0x0], $0xffff  }
0x12d: {  	v3 =	vld.idx.msk [tilespmem:v48+s7+$0x0], $0xffff  }
0x12e: {  	v4 =	vld.idx.msk [tilespmem:v49+s7+$0x0], $0xffff  }
0x12f: {  	v6 =	vld.idx.msk [tilespmem:v50+s7+$0x0], $0xffff  }
0x130: {  	v7 =	vld.idx.msk [tilespmem:v51+s7+$0x0], $0xffff  }
0x131: {  	v0 =	vld.idx.msk [tilespmem:v0+s7+$0x0], $0xffff;
	[tilespmem:$0x33D0] =	vst v5  }
0x132: {  	[tilespmem:$0x3450] =	vst v1  }
0x133: {  	[tilespmem:$0x34D0] =	vst v2  }
0x134: {  	[tilespmem:$0x3550] =	vst v3  }
0x135: {  	[tilespmem:$0x35D0] =	vst v4  }
0x136: {  	[tilespmem:$0x3650] =	vst v6  }
0x137: {  	[tilespmem:$0x36D0] =	vst v7  }
0x138: {  	[tilespmem:$0x3750] =	vst v0  }
0x139: {  	v0 =	vld [tilespmem:s15+$0x60];
	_ =	sdelay $0x4  }
0x13a: {  	v52 =	vadd.s32 $0x3E9, v0  }
0x13b: {  	v53 =	vadd.s32 $0x7D2, v0  }
0x13c: {  	v54 =	vadd.s32 $0xBBB, v0  }
0x13d: {  	v55 =	vadd.s32 $0xFA4, v0  }
0x13e: {  	v56 =	vadd.s32 $0x138D, v0;
	v5 =	vld.idx.msk [tilespmem:v0+s7+$0x0], $0xffff  }
0x13f: {  	v57 =	vadd.s32 $0x1776, v0;
	v1 =	vld.idx.msk [tilespmem:v52+s7+$0x0], $0xffff  }
0x140: {  	v0 =	vadd.s32 $0x1B5F, v0;
	v2 =	vld.idx.msk [tilespmem:v53+s7+$0x0], $0xffff  }
0x141: {  	v3 =	vld.idx.msk [tilespmem:v54+s7+$0x0], $0xffff  }
0x142: {  	v4 =	vld.idx.msk [tilespmem:v55+s7+$0x0], $0xffff  }
0x143: {  	v6 =	vld.idx.msk [tilespmem:v56+s7+$0x0], $0xffff  }
0x144: {  	v7 =	vld.idx.msk [tilespmem:v57+s7+$0x0], $0xffff  }
0x145: {  	v0 =	vld.idx.msk [tilespmem:v0+s7+$0x0], $0xffff;
	[tilespmem:$0x33E0] =	vst v5  }
0x146: {  	[tilespmem:$0x3460] =	vst v1  }
0x147: {  	[tilespmem:$0x34E0] =	vst v2  }
0x148: {  	[tilespmem:$0x3560] =	vst v3  }
0x149: {  	[tilespmem:$0x35E0] =	vst v4  }
0x14a: {  	[tilespmem:$0x3660] =	vst v6  }
0x14b: {  	[tilespmem:$0x36E0] =	vst v7  }
0x14c: {  	[tilespmem:$0x3760] =	vst v0  }
0x14d: {  	v0 =	vld [tilespmem:s15+$0x70];
	_ =	sdelay $0x4  }
0x14e: {  	v58 =	vadd.s32 $0x3E9, v0  }
0x14f: {  	v59 =	vadd.s32 $0x7D2, v0  }
0x150: {  	v60 =	vadd.s32 $0xBBB, v0  }
0x151: {  	v61 =	vadd.s32 $0xFA4, v0  }
0x152: {  	v62 =	vadd.s32 $0x138D, v0;
	v5 =	vld.idx.msk [tilespmem:v0+s7+$0x0], $0xffff  }
0x153: {  	v63 =	vadd.s32 $0x1776, v0;
	v1 =	vld.idx.msk [tilespmem:v58+s7+$0x0], $0xffff  }
0x154: {  	v0 =	vadd.s32 $0x1B5F, v0;
	v2 =	vld.idx.msk [tilespmem:v59+s7+$0x0], $0xffff  }
0x155: {  	v3 =	vld.idx.msk [tilespmem:v60+s7+$0x0], $0xffff  }
0x156: {  	v4 =	vld.idx.msk [tilespmem:v61+s7+$0x0], $0xffff  }
0x157: {  	v6 =	vld.idx.msk [tilespmem:v62+s7+$0x0], $0xffff  }
0x158: {  	v7 =	vld.idx.msk [tilespmem:v63+s7+$0x0], $0xffff  }
0x159: {  	v0 =	vld.idx.msk [tilespmem:v0+s7+$0x0], $0xffff;
	[tilespmem:$0x33F0] =	vst v5  }
0x15a: {  	[tilespmem:$0x3470] =	vst v1  }
0x15b: {  	s16 =	sadd.s32 $0x100, s16;
	[tilespmem:$0x34F0] =	vst v2  }
0x15c: {  	p0 =	sne.s32 s16, $0x1000;
	[tilespmem:$0x3570] =	vst v3  }
.Ltmp0:
0x15d: {  	[tilespmem:$0x35F0] =	vst v4;
	(pc) =	sbr.rel @p0 .LBB2_2-.Ltmp0, $4  }
0x15e: {  	[tilespmem:$0x3670] =	vst v6  }
0x15f: {  	[tilespmem:$0x36F0] =	vst v7  }
0x160: {  	s17 =	sadd.s32 $0x80, s31;
	s15 =	sadd.s32 $0x100, s15;
	[tilespmem:$0x3770] =	vst v0  }
0x161: {  	[hbm4b:s17+s2] =	stream.linear.scatter [tilespmem:s11], [sflag:$0x4], $0x400, $0x38;
	[tilespmem:$0x3780] =	vst v63  }
0x162: {  	s14 =	sadd.s32 $0x1, s14  }
0x163: {  	_ =	swait.ge [sflag:s12], $0x400;
	p0 =	sne.s32 s14, s5  }
.Ltmp1:
0x164: {  	[sflag:s12] =	ssyncset.done $0x0;
	(pc) =	sbr.rel @p0 .LBB2_1-.Ltmp1, $4  }
0x165: {  	[sflag:s12] =	ssyncadd.s32 $0xFFFFFC00  }
0x166: {  	_ =	swait.ge [sflag:s13], $0x400  }
0x167: {  	[sflag:s13] =	ssyncset.done $0x0  }
0x168: {  	[sflag:s13] =	ssyncadd.s32 $0xFFFFFC00  }
0x169: {  	_ =	sfence.sel $0x180000  }
0x16a: {  	[bflag:$0x0] =	sbarrier.arrive $0xFFFF  }
0x16b: {  	p0 =	sne.s32 s0, $0x0;
	_ =	strace $0x90000047  }
0x16c: {  	s0 =	sadd.s32 @!p0 $0x100000, s1;
	[bflag:$0x2] =	sbarrier.arrive $0xFFFF  }
0x16d: {  	[sflag:s0] =	ssyncadd.tile.s32 @!p0 $0x1;
	_ =	shalt  }
.Lfunc_end2:
_tile_overlayer_lowered:
.L_overlay_start_2:
0x16e: {  	(tag) =	ssettag $0x2  }
0x16f: {  	s0 =	rddreg [dreg:$0x0];
	s2 =	stileid.u32  }
0x170: {  	s1 =	rddreg [dreg:$0x1];
	p0 =	sne.s32 s2, $0x0  }
0x171: {  	s3 =	rddreg [dreg:$0x2];
	[bflag:$0x3] =	sbarrier.arrive $0xFFFF;
	s2 =	simm.s32 @!p0 $0x1C05  }
0x172: {  	[timem:s3], [sflag:s2] =	dma.local @!p0 [hbm:s0], s1  }
0x173: {  	s0 =	simm.s32 @!p0 $0x5  }
0x174: {  	_ =	swait.ge @!p0 [sflag:s0], s1  }
0x175: {  	s1 =	ssub.s32 @!p0 $0x0, s1;
	[sflag:s0] =	ssyncset.done @!p0 $0x0  }
0x176: {  	[sflag:s0] =	ssyncadd.s32 @!p0 s1  }
0x177: {  	[bflag:$0x3] =	sbarrier.arrive $0xFFFF  }
0x178: {  	_ =	shalt  }

</sc_bundles>
